<compile_context>
chip_gen: v7x
topology: tpu7x:2x2x1
jax: 0.10.2.dev20260603
libtpu: 0.0.44.dev20260713+nightly
codegen_flags: <defaults>
</compile_context>

<pallas_src>
import functools

import jax
import jax.numpy as jnp
from jax import lax
from jax.experimental import pallas as pl
from jax.experimental.pallas import tpu as pltpu
from jax.experimental.pallas import tpu_sc as plsc

NIMG, C, H, W = 8, 19, 384, 384
BKT = 2048
NBINS = C * 2 * BKT
NWORKERS = 32
BH = 192
HP = H // 2
WORDS = NIMG * C * HP * W
PER_W = WORDS // NWORKERS
TILE = 4608
NTILES = PER_W // TILE
NPAIRS = NTILES // 2
RUN_TILES = HP * W // TILE
VPT = TILE // 16
UNROLL = 16


def _ids_body(logits_ref, label_ref, out_ref):
    x = logits_ref[0]
    m = jnp.max(x, axis=0, keepdims=True)
    e = jnp.exp(x - m)
    s = jnp.sum(e, axis=0, keepdims=True)
    q = (1.0 / s) * BKT
    t = e * q
    lbl = label_ref[...]
    cls = lax.broadcasted_iota(jnp.int32, (C, BH, W), 0)
    is_pos = lbl == cls
    bneg = jnp.minimum(t.astype(jnp.int32), BKT - 1)
    bpos = jnp.minimum((BKT - t).astype(jnp.int32), BKT - 1) + BKT
    fid = jnp.where(is_pos, bpos, bneg)
    packed = fid[:, : BH // 2, :] | (fid[:, BH // 2 :, :] << 16)
    out_ref[0] = packed


def _compute_ids(logits, label):
    grid = (NIMG, H // BH)
    return pl.pallas_call(
        _ids_body,
        grid=grid,
        in_specs=[
            pl.BlockSpec((1, C, BH, W), lambda n, h: (n, 0, h, 0)),
            pl.BlockSpec((1, BH, W), lambda n, h: (n, h, 0)),
        ],
        out_specs=pl.BlockSpec((1, C, BH // 2, W), lambda n, h: (n, 0, h, 0)),
        out_shape=jax.ShapeDtypeStruct((NIMG, C, HP, W), jnp.int32),
    )(logits, label)


def _hist_body(ids_hbm, out_hbm, buf0, buf1, hist, sem0, sem1):
    wid = lax.axis_index("s") * 2 + lax.axis_index("c")
    base = wid * PER_W

    def start(t, buf, sem):
        off = pl.multiple_of(base + t * TILE, 8)
        return pltpu.async_copy(ids_hbm.at[pl.ds(off, TILE)], buf, sem)

    start(0, buf0, sem0)
    start(1, buf1, sem1)

    zeros16 = jnp.zeros((16,), jnp.float32)

    @plsc.parallel_loop(0, NBINS // 16, unroll=8)
    def _(k):
        hist[pl.ds(k * 16, 16)] = zeros16

    ones16 = jnp.ones((16,), jnp.float32)

    def process(t, buf, sem):
        pltpu.make_async_copy(ids_hbm.at[pl.ds(base, TILE)], buf, sem).wait()
        coff = ((wid * NTILES + t) // RUN_TILES) % C * (2 * BKT)

        @plsc.parallel_loop(0, VPT, unroll=UNROLL)
        def _(j):
            v = buf[pl.ds(j * 16, 16)]
            lo = (v & 0xFFFF) + coff
            hi = (v >> 16) + coff
            plsc.addupdate_scatter(hist, [lo], ones16)
            plsc.addupdate_scatter(hist, [hi], ones16)

    def pair_body(g, carry):
        process(2 * g, buf0, sem0)

        @pl.when(g + 1 < NPAIRS)
        def _():
            start(2 * g + 2, buf0, sem0)

        process(2 * g + 1, buf1, sem1)

        @pl.when(g + 1 < NPAIRS)
        def _():
            start(2 * g + 3, buf1, sem1)

        return carry

    lax.fori_loop(0, NPAIRS, pair_body, 0)
    out_start = pl.multiple_of(wid * NBINS, 8)
    pltpu.sync_copy(hist, out_hbm.at[pl.ds(out_start, NBINS)])


def _compute_hist(ids_packed):
    mesh = plsc.VectorSubcoreMesh(core_axis_name="c", subcore_axis_name="s")
    f = functools.partial(
        pl.kernel,
        mesh=mesh,
        out_type=jax.ShapeDtypeStruct((NWORKERS * NBINS,), jnp.float32),
        scratch_types=[
            pltpu.VMEM((TILE,), jnp.int32),
            pltpu.VMEM((TILE,), jnp.int32),
            pltpu.VMEM((NBINS,), jnp.float32),
            pltpu.SemaphoreType.DMA,
            pltpu.SemaphoreType.DMA,
        ],
        compiler_params=pltpu.CompilerParams(needs_layout_passes=False),
    )(_hist_body)
    return f(ids_packed)


def _suffix_sum(x):
    s = x
    k = 1
    while k < BKT:
        pad = jnp.zeros((C, k), jnp.float32)
        s = s + jnp.concatenate([s[:, k:], pad], axis=1)
        k *= 2
    return s


def _loss_body(h_ref, out_ref):
    h = jnp.sum(h_ref[...], axis=0)
    neg = h[:, :BKT]
    pos = h[:, BKT:]
    tot = neg + pos
    r = _suffix_sum(tot)
    p = _suffix_sum(pos)
    n_pos = p[:, :1]
    denom = jnp.maximum(n_pos + r - p, 1.0)
    g = jnp.where(r < 0.5, 0.0, 1.0 - (n_pos - p) / denom)
    gnext = jnp.concatenate([g[:, 1:], jnp.zeros((C, 1), jnp.float32)], axis=1)
    vi = lax.broadcasted_iota(jnp.int32, (C, BKT), 1)
    v = (vi.astype(jnp.float32) + 0.5) * (1.0 / BKT)
    loss = jnp.sum((g - gnext) * v) * (1.0 / C)
    out_ref[...] = loss * jnp.ones((1, 1), jnp.float32)


def _compute_loss(hist):
    h3 = hist.reshape(NWORKERS, C, 2 * BKT)
    out = pl.pallas_call(
        _loss_body,
        out_shape=jax.ShapeDtypeStruct((1, 1), jnp.float32),
    )(h3)
    return out


def kernel(logits, label):
    label = label.astype(jnp.int32)
    ids = _compute_ids(logits, label)
    hist = _compute_hist(ids.reshape(WORDS))
    out = _compute_loss(hist)
    return out.reshape(())

# --- scband reference (transcript-rebuilt; emitter-appended) ---
"""Pipeline reference for scband-lovasz-softmax-v3-14156212208199 (READ-ONLY COPY).

The authoritative reference and input builder live on the scoring server;
editing this copy changes nothing except your own understanding.
"""

import jax, jax.numpy as jnp
import numpy as np

IGNORE_INDEX = -100
REDUCTION = 'mean'


def _lovasz_softmax(logits, label, ignore_index=IGNORE_INDEX, reduction=REDUCTION):
    n, c, h, w = logits.shape
    logits = jnp.transpose(logits, (1, 0, 2, 3)).reshape(c, -1).astype(jnp.float32)
    label = label.reshape(-1)
    valid = (label != ignore_index)
    vmask = valid.astype(jnp.float32)[None, :]
    probs = jax.nn.softmax(logits, axis=0) * vmask
    lb = jnp.where(valid, label, 0)
    lb_one_hot = jax.lax.stop_gradient(jax.nn.one_hot(lb, c, dtype=jnp.float32).T * vmask)
    errs = jnp.abs(lb_one_hot - probs)
    order = jnp.argsort(-errs, axis=1)  # descending sort order per class
    errs_sort = jnp.take_along_axis(errs, order, axis=1)
    lb_sort = jnp.take_along_axis(lb_one_hot, order, axis=1)
    n_pos = lb_sort.sum(axis=1, keepdims=True)
    inter = n_pos - jnp.cumsum(lb_sort, axis=1)
    union = n_pos + jnp.cumsum(1.0 - lb_sort, axis=1)
    jacc = 1.0 - inter / union
    jacc = jnp.concatenate([jacc[:, :1], jacc[:, 1:] - jacc[:, :-1]], axis=1)
    jacc = jax.lax.stop_gradient(jacc)
    losses = jnp.einsum('ab,ab->a', errs_sort, jacc)
    if reduction == 'sum':
        losses = losses.sum()
    elif reduction == 'mean':
        losses = losses.mean()
    return losses


def setup_inputs(seed: int = 0) -> dict:
    key = jax.random.key(seed)
    k1, k2 = jax.random.split(key)
    logits = jax.random.normal(k1, (8, 19, 384, 384), dtype=jnp.float32)
    label = jax.random.randint(k2, (8, 384, 384), 0, 19).astype(jnp.int64)
    return {"logits": logits, "label": label}


def reference(logits, label):
    return _lovasz_softmax(logits, label)

if __name__ == "__main__":
    import jax
    _d = setup_inputs()
    print(jax.jit(kernel)(*tuple(_d.values())))

</pallas_src>

<mosaic_0001>
#map = affine_map<(d0, d1) -> (0)>
module attributes {stable_mosaic.version = 14 : i64} {
  func.func @_hist_body(%arg0: i32, %arg1: i32, %arg2: memref<11206656xi32, #tpu.memory_space<hbm>>, %arg3: memref<2490368xf32, #tpu.memory_space<hbm>>, %arg4: memref<4608xi32, #tpu.memory_space<vmem>>, %arg5: memref<4608xi32, #tpu.memory_space<vmem>>, %arg6: memref<77824xf32, #tpu.memory_space<vmem>>, %arg7: memref<!tpu.dma_semaphore, #tpu.memory_space<semaphore_mem>>, %arg8: memref<!tpu.dma_semaphore, #tpu.memory_space<semaphore_mem>>) attributes {dimension_semantics = [#tpu.dimension_semantics<core_parallel>, #tpu.dimension_semantics<subcore_parallel>], iteration_bounds = array<i64: 2, 16>, scalar_prefetch = 0 : i64, scratch_operands = 5 : i64, tpu.core_type = #tpu.core_type<sc_vector_subcore>, window_params = [{transform_indices = #map}, {transform_indices = #map}]} {
    %mul3A = arith.constant 2 : i32
    %mul3A_0 = arith.muli %arg1, %mul3A : i32
    %add3A = arith.addi %mul3A_0, %arg0 : i32
    %mul3A_1 = arith.constant 350208 : i32
    %mul3A_2 = arith.muli %add3A, %mul3A_1 : i32
    %add3A_3 = arith.constant 0 : i32
    %add3A_4 = arith.addi %mul3A_2, %add3A_3 : i32
    %multiple_of3A = tpu.assume_multiple %add3A_4, 8 : i32
    %dma_start3A = tpu.memref_slice %arg2[%multiple_of3A] : memref<11206656xi32, #tpu.memory_space<hbm>> -> memref<4608xi32, #tpu.memory_space<hbm>>
    %dma_start3A_5 = tpu.memref_slice %arg2[%multiple_of3A] : memref<11206656xi32, #tpu.memory_space<hbm>> -> memref<4608xi32, #tpu.memory_space<hbm>>
    tpu.enqueue_dma source(%dma_start3A_5 : memref<4608xi32, #tpu.memory_space<hbm>>) target(%arg4 : memref<4608xi32, #tpu.memory_space<vmem>>) target_semaphore(%arg7 : memref<!tpu.dma_semaphore, #tpu.memory_space<semaphore_mem>>)
    %add3A_6 = arith.constant 4608 : i32
    %add3A_7 = arith.addi %mul3A_2, %add3A_6 : i32
    %multiple_of3A_8 = tpu.assume_multiple %add3A_7, 8 : i32
    %dma_start3A_9 = tpu.memref_slice %arg2[%multiple_of3A_8] : memref<11206656xi32, #tpu.memory_space<hbm>> -> memref<4608xi32, #tpu.memory_space<hbm>>
    %dma_start3A_10 = tpu.memref_slice %arg2[%multiple_of3A_8] : memref<11206656xi32, #tpu.memory_space<hbm>> -> memref<4608xi32, #tpu.memory_space<hbm>>
    tpu.enqueue_dma source(%dma_start3A_10 : memref<4608xi32, #tpu.memory_space<hbm>>) target(%arg5 : memref<4608xi32, #tpu.memory_space<vmem>>) target_semaphore(%arg8 : memref<!tpu.dma_semaphore, #tpu.memory_space<semaphore_mem>>)
    %broadcast_in_dim3A = arith.constant 0.000000e+00 : f32
    %broadcast_in_dim3A_11 = vector.broadcast %broadcast_in_dim3A : f32 to vector<16xf32>
    %parallel_loop3A = arith.constant 0 : i32
    %parallel_loop3A_12 = arith.constant 4864 : i32
    %parallel_loop3A_13 = arith.constant 1 : i32
    scf.for %parallel_loop3A_24 = %parallel_loop3A to %parallel_loop3A_12 step %parallel_loop3A_13  : i32 {
      %parallel_loop3A_25 = arith.constant 16 : i32
      %parallel_loop3A_26 = arith.muli %parallel_loop3A_24, %parallel_loop3A_25 : i32
      %parallel_loop3A_27 = arith.index_cast %parallel_loop3A_26 : i32 to index
      %parallel_loop3A_28 = tpu.vector_load %arg6[%parallel_loop3A_27] {strides = array<i32>} : memref<77824xf32, #tpu.memory_space<vmem>>, vector<16xf32>,
      tpu.vector_store %arg6[%parallel_loop3A_27], %broadcast_in_dim3A_11 {strides = array<i32>} : memref<77824xf32, #tpu.memory_space<vmem>>, vector<16xf32>,
    } {sc.loop_unroll_factor = 8 : i64, sc.parallel_access}
    %broadcast_in_dim3A_14 = arith.constant 1.000000e+00 : f32
    %broadcast_in_dim3A_15 = vector.broadcast %broadcast_in_dim3A_14 : f32 to vector<16xf32>
    %scan3A = arith.constant 0 : i32
    %scan3A_16 = arith.constant 0 : i32
    %scan3A_17 = arith.constant 38 : i32
    %scan3A_18 = arith.addi %scan3A_16, %scan3A_17 : i32
    %scan3A_19 = arith.constant 1 : i32
    scf.for %scan3A_24 = %scan3A_16 to %scan3A_18 step %scan3A_19  : i32 {
      %mul3A_25 = arith.constant 2 : i32
      %mul3A_26 = arith.muli %mul3A_25, %scan3A_24 : i32
      %dma_wait3A = tpu.memref_slice %arg2[%mul3A_2] : memref<11206656xi32, #tpu.memory_space<hbm>> -> memref<4608xi32, #tpu.memory_space<hbm>>
      %dma_wait3A_27 = tpu.memref_slice %arg2[%mul3A_2] : memref<11206656xi32, #tpu.memory_space<hbm>> -> memref<4608xi32, #tpu.memory_space<hbm>>
      tpu.wait_dma2 semaphore(%arg7 : memref<!tpu.dma_semaphore, #tpu.memory_space<semaphore_mem>>) src(%dma_wait3A_27 : memref<4608xi32, #tpu.memory_space<hbm>>) dst(%arg4 : memref<4608xi32, #tpu.memory_space<vmem>>)
      %mul3A_28 = arith.constant 76 : i32
      %mul3A_29 = arith.muli %add3A, %mul3A_28 : i32
      %add3A_30 = arith.addi %mul3A_29, %mul3A_26 : i32
      %jit3A = arith.constant 16 : i32
      %div3A = arith.divsi %add3A_30, %jit3A : i32
      %sign3A = arith.constant 0 : i32
      %sign3A_31 = arith.cmpi sgt, %add3A_30, %sign3A : i32
      %sign3A_32 = arith.extui %sign3A_31 : i1 to i32
      %sign3A_33 = arith.constant 0 : i32
      %sign3A_34 = arith.cmpi slt, %add3A_30, %sign3A_33 : i32
      %sign3A_35 = arith.extui %sign3A_34 : i1 to i32
      %sign3A_36 = arith.subi %sign3A_32, %sign3A_35 : i32
      %sign3A_37 = arith.constant 0 : i32
      %sign3A_38 = arith.cmpi sgt, %jit3A, %sign3A_37 : i32
      %sign3A_39 = arith.extui %sign3A_38 : i1 to i32
      %sign3A_40 = arith.constant 0 : i32
      %sign3A_41 = arith.cmpi slt, %jit3A, %sign3A_40 : i32
      %sign3A_42 = arith.extui %sign3A_41 : i1 to i32
      %sign3A_43 = arith.subi %sign3A_39, %sign3A_42 : i32
      %ne3A = arith.cmpi ne, %sign3A_36, %sign3A_43 : i32
      %rem3A = arith.remsi %add3A_30, %jit3A : i32
      %ne3A_44 = arith.constant 0 : i32
      %ne3A_45 = arith.cmpi ne, %rem3A, %ne3A_44 : i32
      %and3A = arith.andi %ne3A, %ne3A_45 : i1
      %sub3A = arith.constant 1 : i32
      %sub3A_46 = arith.subi %div3A, %sub3A : i32
      %select_n3A = arith.select %and3A, %sub3A_46, %div3A : i32
      %jit3A_47 = arith.constant 19 : i32
      %eq3A = arith.constant 0 : i32
      %eq3A_48 = arith.cmpi eq, %jit3A_47, %eq3A : i32
      %jit3A_49 = arith.constant 1 : i32
      %select_n3A_50 = arith.select %eq3A_48, %jit3A_49, %jit3A_47 : i32
      %rem3A_51 = arith.remsi %select_n3A, %select_n3A_50 : i32
      %ne3A_52 = arith.constant 0 : i32
      %ne3A_53 = arith.cmpi ne, %rem3A_51, %ne3A_52 : i32
      %lt3A = arith.constant 0 : i32
      %lt3A_54 = arith.cmpi slt, %rem3A_51, %lt3A : i32
      %lt3A_55 = arith.constant 0 : i32
      %lt3A_56 = arith.cmpi slt, %select_n3A_50, %lt3A_55 : i32
      %ne3A_57 = arith.xori %lt3A_54, %lt3A_56 : i1
      %and3A_58 = arith.andi %ne3A_57, %ne3A_53 : i1
      %add3A_59 = arith.addi %rem3A_51, %select_n3A_50 : i32
      %select_n3A_60 = arith.select %and3A_58, %add3A_59, %rem3A_51 : i32
      %mul3A_61 = arith.constant 4096 : i32
      %mul3A_62 = arith.muli %select_n3A_60, %mul3A_61 : i32
      %parallel_loop3A_63 = arith.constant 0 : i32
      %parallel_loop3A_64 = arith.constant 288 : i32
      %parallel_loop3A_65 = arith.constant 1 : i32
      scf.for %parallel_loop3A_132 = %parallel_loop3A_63 to %parallel_loop3A_64 step %parallel_loop3A_65  : i32 {
        %parallel_loop3A_133 = arith.constant 16 : i32
        %parallel_loop3A_134 = arith.muli %parallel_loop3A_132, %parallel_loop3A_133 : i32
        %parallel_loop3A_135 = arith.index_cast %parallel_loop3A_134 : i32 to index
        %parallel_loop3A_136 = tpu.vector_load %arg4[%parallel_loop3A_135] {strides = array<i32>} : memref<4608xi32, #tpu.memory_space<vmem>>, vector<16xi32>,
        %parallel_loop3A_137 = arith.constant 65535 : i32
        %parallel_loop3A_138 = vector.broadcast %parallel_loop3A_137 : i32 to vector<16xi32>
        %parallel_loop3A_139 = arith.andi %parallel_loop3A_136, %parallel_loop3A_138 : vector<16xi32>
        %parallel_loop3A_140 = vector.broadcast %mul3A_62 : i32 to vector<16xi32>
        %parallel_loop3A_141 = arith.addi %parallel_loop3A_139, %parallel_loop3A_140 : vector<16xi32>
        %parallel_loop3A_142 = arith.constant 16 : i32
        %parallel_loop3A_143 = vector.broadcast %parallel_loop3A_142 : i32 to vector<16xi32>
        %parallel_loop3A_144 = arith.shrsi %parallel_loop3A_136, %parallel_loop3A_143 : vector<16xi32>
        %parallel_loop3A_145 = vector.broadcast %mul3A_62 : i32 to vector<16xi32>
        %parallel_loop3A_146 = arith.addi %parallel_loop3A_144, %parallel_loop3A_145 : vector<16xi32>
        tpu.vector_store_idx %arg6[%parallel_loop3A_141], %broadcast_in_dim3A_15 {add = true} : memref<77824xf32, #tpu.memory_space<vmem>>[vector<16xi32>], vector<16xf32>,
        tpu.vector_store_idx %arg6[%parallel_loop3A_146], %broadcast_in_dim3A_15 {add = true} : memref<77824xf32, #tpu.memory_space<vmem>>[vector<16xi32>], vector<16xf32>,
      } {sc.loop_unroll_factor = 16 : i64, sc.parallel_access}
      %add3A_66 = arith.constant 1 : i32
      %add3A_67 = arith.addi %scan3A_24, %add3A_66 : i32
      %lt3A_68 = arith.constant 38 : i32
      %lt3A_69 = arith.cmpi slt, %add3A_67, %lt3A_68 : i32
      %convert_element_type3A = arith.extui %lt3A_69 : i1 to i32
      %cond3A = arith.constant 0 : i32
      %cond3A_70 = arith.cmpi ne, %convert_element_type3A, %cond3A : i32
      scf.if %cond3A_70 {
        %mul3A_132 = arith.constant 2 : i32
        %mul3A_133 = arith.muli %mul3A_132, %scan3A_24 : i32
        %add3A_134 = arith.constant 2 : i32
        %add3A_135 = arith.addi %mul3A_133, %add3A_134 : i32
        %mul3A_136 = arith.constant 4608 : i32
        %mul3A_137 = arith.muli %add3A_135, %mul3A_136 : i32
        %add3A_138 = arith.addi %mul3A_2, %mul3A_137 : i32
        %multiple_of3A_139 = tpu.assume_multiple %add3A_138, 8 : i32
        %dma_start3A_140 = tpu.memref_slice %arg2[%multiple_of3A_139] : memref<11206656xi32, #tpu.memory_space<hbm>> -> memref<4608xi32, #tpu.memory_space<hbm>>
        %dma_start3A_141 = tpu.memref_slice %arg2[%multiple_of3A_139] : memref<11206656xi32, #tpu.memory_space<hbm>> -> memref<4608xi32, #tpu.memory_space<hbm>>
        tpu.enqueue_dma source(%dma_start3A_141 : memref<4608xi32, #tpu.memory_space<hbm>>) target(%arg4 : memref<4608xi32, #tpu.memory_space<vmem>>) target_semaphore(%arg7 : memref<!tpu.dma_semaphore, #tpu.memory_space<semaphore_mem>>)
      } else {
      }
      %mul3A_71 = arith.constant 2 : i32
      %mul3A_72 = arith.muli %mul3A_71, %scan3A_24 : i32
      %add3A_73 = arith.constant 1 : i32
      %add3A_74 = arith.addi %mul3A_72, %add3A_73 : i32
      %dma_wait3A_75 = tpu.memref_slice %arg2[%mul3A_2] : memref<11206656xi32, #tpu.memory_space<hbm>> -> memref<4608xi32, #tpu.memory_space<hbm>>
      %dma_wait3A_76 = tpu.memref_slice %arg2[%mul3A_2] : memref<11206656xi32, #tpu.memory_space<hbm>> -> memref<4608xi32, #tpu.memory_space<hbm>>
      tpu.wait_dma2 semaphore(%arg8 : memref<!tpu.dma_semaphore, #tpu.memory_space<semaphore_mem>>) src(%dma_wait3A_76 : memref<4608xi32, #tpu.memory_space<hbm>>) dst(%arg5 : memref<4608xi32, #tpu.memory_space<vmem>>)
      %mul3A_77 = arith.constant 76 : i32
      %mul3A_78 = arith.muli %add3A, %mul3A_77 : i32
      %add3A_79 = arith.addi %mul3A_78, %add3A_74 : i32
      %jit3A_80 = arith.constant 16 : i32
      %div3A_81 = arith.divsi %add3A_79, %jit3A_80 : i32
      %sign3A_82 = arith.constant 0 : i32
      %sign3A_83 = arith.cmpi sgt, %add3A_79, %sign3A_82 : i32
      %sign3A_84 = arith.extui %sign3A_83 : i1 to i32
      %sign3A_85 = arith.constant 0 : i32
      %sign3A_86 = arith.cmpi slt, %add3A_79, %sign3A_85 : i32
      %sign3A_87 = arith.extui %sign3A_86 : i1 to i32
      %sign3A_88 = arith.subi %sign3A_84, %sign3A_87 : i32
      %sign3A_89 = arith.constant 0 : i32
      %sign3A_90 = arith.cmpi sgt, %jit3A_80, %sign3A_89 : i32
      %sign3A_91 = arith.extui %sign3A_90 : i1 to i32
      %sign3A_92 = arith.constant 0 : i32
      %sign3A_93 = arith.cmpi slt, %jit3A_80, %sign3A_92 : i32
      %sign3A_94 = arith.extui %sign3A_93 : i1 to i32
      %sign3A_95 = arith.subi %sign3A_91, %sign3A_94 : i32
      %ne3A_96 = arith.cmpi ne, %sign3A_88, %sign3A_95 : i32
      %rem3A_97 = arith.remsi %add3A_79, %jit3A_80 : i32
      %ne3A_98 = arith.constant 0 : i32
      %ne3A_99 = arith.cmpi ne, %rem3A_97, %ne3A_98 : i32
      %and3A_100 = arith.andi %ne3A_96, %ne3A_99 : i1
      %sub3A_101 = arith.constant 1 : i32
      %sub3A_102 = arith.subi %div3A_81, %sub3A_101 : i32
      %select_n3A_103 = arith.select %and3A_100, %sub3A_102, %div3A_81 : i32
      %jit3A_104 = arith.constant 19 : i32
      %eq3A_105 = arith.constant 0 : i32
      %eq3A_106 = arith.cmpi eq, %jit3A_104, %eq3A_105 : i32
      %jit3A_107 = arith.constant 1 : i32
      %select_n3A_108 = arith.select %eq3A_106, %jit3A_107, %jit3A_104 : i32
      %rem3A_109 = arith.remsi %select_n3A_103, %select_n3A_108 : i32
      %ne3A_110 = arith.constant 0 : i32
      %ne3A_111 = arith.cmpi ne, %rem3A_109, %ne3A_110 : i32
      %lt3A_112 = arith.constant 0 : i32
      %lt3A_113 = arith.cmpi slt, %rem3A_109, %lt3A_112 : i32
      %lt3A_114 = arith.constant 0 : i32
      %lt3A_115 = arith.cmpi slt, %select_n3A_108, %lt3A_114 : i32
      %ne3A_116 = arith.xori %lt3A_113, %lt3A_115 : i1
      %and3A_117 = arith.andi %ne3A_116, %ne3A_111 : i1
      %add3A_118 = arith.addi %rem3A_109, %select_n3A_108 : i32
      %select_n3A_119 = arith.select %and3A_117, %add3A_118, %rem3A_109 : i32
      %mul3A_120 = arith.constant 4096 : i32
      %mul3A_121 = arith.muli %select_n3A_119, %mul3A_120 : i32
      %parallel_loop3A_122 = arith.constant 0 : i32
      %parallel_loop3A_123 = arith.constant 288 : i32
      %parallel_loop3A_124 = arith.constant 1 : i32
      scf.for %parallel_loop3A_132 = %parallel_loop3A_122 to %parallel_loop3A_123 step %parallel_loop3A_124  : i32 {
        %parallel_loop3A_133 = arith.constant 16 : i32
        %parallel_loop3A_134 = arith.muli %parallel_loop3A_132, %parallel_loop3A_133 : i32
        %parallel_loop3A_135 = arith.index_cast %parallel_loop3A_134 : i32 to index
        %parallel_loop3A_136 = tpu.vector_load %arg5[%parallel_loop3A_135] {strides = array<i32>} : memref<4608xi32, #tpu.memory_space<vmem>>, vector<16xi32>,
        %parallel_loop3A_137 = arith.constant 65535 : i32
        %parallel_loop3A_138 = vector.broadcast %parallel_loop3A_137 : i32 to vector<16xi32>
        %parallel_loop3A_139 = arith.andi %parallel_loop3A_136, %parallel_loop3A_138 : vector<16xi32>
        %parallel_loop3A_140 = vector.broadcast %mul3A_121 : i32 to vector<16xi32>
        %parallel_loop3A_141 = arith.addi %parallel_loop3A_139, %parallel_loop3A_140 : vector<16xi32>
        %parallel_loop3A_142 = arith.constant 16 : i32
        %parallel_loop3A_143 = vector.broadcast %parallel_loop3A_142 : i32 to vector<16xi32>
        %parallel_loop3A_144 = arith.shrsi %parallel_loop3A_136, %parallel_loop3A_143 : vector<16xi32>
        %parallel_loop3A_145 = vector.broadcast %mul3A_121 : i32 to vector<16xi32>
        %parallel_loop3A_146 = arith.addi %parallel_loop3A_144, %parallel_loop3A_145 : vector<16xi32>
        tpu.vector_store_idx %arg6[%parallel_loop3A_141], %broadcast_in_dim3A_15 {add = true} : memref<77824xf32, #tpu.memory_space<vmem>>[vector<16xi32>], vector<16xf32>,
        tpu.vector_store_idx %arg6[%parallel_loop3A_146], %broadcast_in_dim3A_15 {add = true} : memref<77824xf32, #tpu.memory_space<vmem>>[vector<16xi32>], vector<16xf32>,
      } {sc.loop_unroll_factor = 16 : i64, sc.parallel_access}
      %add3A_125 = arith.constant 1 : i32
      %add3A_126 = arith.addi %scan3A_24, %add3A_125 : i32
      %lt3A_127 = arith.constant 38 : i32
      %lt3A_128 = arith.cmpi slt, %add3A_126, %lt3A_127 : i32
      %convert_element_type3A_129 = arith.extui %lt3A_128 : i1 to i32
      %cond3A_130 = arith.constant 0 : i32
      %cond3A_131 = arith.cmpi ne, %convert_element_type3A_129, %cond3A_130 : i32
      scf.if %cond3A_131 {
        %mul3A_132 = arith.constant 2 : i32
        %mul3A_133 = arith.muli %mul3A_132, %scan3A_24 : i32
        %add3A_134 = arith.constant 3 : i32
        %add3A_135 = arith.addi %mul3A_133, %add3A_134 : i32
        %mul3A_136 = arith.constant 4608 : i32
        %mul3A_137 = arith.muli %add3A_135, %mul3A_136 : i32
        %add3A_138 = arith.addi %mul3A_2, %mul3A_137 : i32
        %multiple_of3A_139 = tpu.assume_multiple %add3A_138, 8 : i32
        %dma_start3A_140 = tpu.memref_slice %arg2[%multiple_of3A_139] : memref<11206656xi32, #tpu.memory_space<hbm>> -> memref<4608xi32, #tpu.memory_space<hbm>>
        %dma_start3A_141 = tpu.memref_slice %arg2[%multiple_of3A_139] : memref<11206656xi32, #tpu.memory_space<hbm>> -> memref<4608xi32, #tpu.memory_space<hbm>>
        tpu.enqueue_dma source(%dma_start3A_141 : memref<4608xi32, #tpu.memory_space<hbm>>) target(%arg5 : memref<4608xi32, #tpu.memory_space<vmem>>) target_semaphore(%arg8 : memref<!tpu.dma_semaphore, #tpu.memory_space<semaphore_mem>>)
      } else {
      }
    }
    %scan3A_20 = arith.constant 38 : i32
    %mul3A_21 = arith.constant 77824 : i32
    %mul3A_22 = arith.muli %add3A, %mul3A_21 : i32
    %multiple_of3A_23 = tpu.assume_multiple %mul3A_22, 8 : i32
    "tpu.region"() ({
      %run_scoped3A = tpu.sem_alloc : memref<!tpu.dma_semaphore, #tpu.memory_space<semaphore_mem>>
      %dma_start3A_24 = tpu.memref_slice %arg3[%multiple_of3A_23] : memref<2490368xf32, #tpu.memory_space<hbm>> -> memref<77824xf32, #tpu.memory_space<hbm>>
      %dma_start3A_25 = tpu.memref_slice %arg3[%multiple_of3A_23] : memref<2490368xf32, #tpu.memory_space<hbm>> -> memref<77824xf32, #tpu.memory_space<hbm>>
      tpu.enqueue_dma source(%arg6 : memref<77824xf32, #tpu.memory_space<vmem>>) target(%dma_start3A_25 : memref<77824xf32, #tpu.memory_space<hbm>>) target_semaphore(%run_scoped3A : memref<!tpu.dma_semaphore, #tpu.memory_space<semaphore_mem>>)
      %dma_wait3A = tpu.memref_slice %arg3[%multiple_of3A_23] : memref<2490368xf32, #tpu.memory_space<hbm>> -> memref<77824xf32, #tpu.memory_space<hbm>>
      %dma_wait3A_26 = tpu.memref_slice %arg3[%multiple_of3A_23] : memref<2490368xf32, #tpu.memory_space<hbm>> -> memref<77824xf32, #tpu.memory_space<hbm>>
      tpu.wait_dma2 semaphore(%run_scoped3A : memref<!tpu.dma_semaphore, #tpu.memory_space<semaphore_mem>>) src(%arg6 : memref<77824xf32, #tpu.memory_space<vmem>>) dst(%dma_wait3A_26 : memref<77824xf32, #tpu.memory_space<hbm>>)
      tpu.yield
    }) : () -> ()
    return
  }
}

module attributes {stable_mosaic.version = 14 : i64} {
  func.func @_ids_body(%arg0: i32, %arg1: i32, %arg2: memref<1x19x192x384xf32, #tpu.memory_space<vmem>>, %arg3: memref<1x192x384xi32, #tpu.memory_space<vmem>>, %arg4: memref<1x19x96x384xi32, #tpu.memory_space<vmem>>) attributes {dimension_semantics = [#tpu.dimension_semantics<arbitrary>, #tpu.dimension_semantics<arbitrary>], iteration_bounds = array<i64: 8, 2>, scalar_prefetch = 0 : i64, scratch_operands = 0 : i64, tpu.core_type = #tpu.core_type<tc>, window_params = [{transform_indices = @transform_0, window_bounds = array<i64: 1, 19, 192, 384>}, {transform_indices = @transform_1, window_bounds = array<i64: 1, 192, 384>}, {transform_indices = @transform_2, window_bounds = array<i64: 1, 19, 96, 384>}]} {
    %get3A = arith.constant 0 : index
    %get3A_0 = arith.constant 0 : index
    %get3A_1 = arith.constant 0 : index
    %get3A_2 = arith.constant 0 : index
    %get3A_3 = vector.load %arg2[%get3A, %get3A_0, %get3A_1, %get3A_2] : memref<1x19x192x384xf32, #tpu.memory_space<vmem>>, vector<1x19x192x384xf32>
    %get3A_4 = vector.shape_cast %get3A_3 : vector<1x19x192x384xf32> to vector<19x192x384xf32>
    %reduce_max3A = arith.constant dense<0xFF800000> : vector<192x384xf32>
    %reduce_max3A_5 = vector.multi_reduction <maximumf>, %get3A_4, %reduce_max3A [0] : vector<19x192x384xf32> to vector<192x384xf32>
    %broadcast_in_dim3A = vector.shape_cast %reduce_max3A_5 : vector<192x384xf32> to vector<1x192x384xf32>
    %sub3A = vector.broadcast %broadcast_in_dim3A : vector<1x192x384xf32> to vector<19x192x384xf32>
    %sub3A_6 = arith.subf %get3A_4, %sub3A : vector<19x192x384xf32>
    %exp3A = math.exp %sub3A_6 : vector<19x192x384xf32>
    %reduce_sum3A = arith.constant dense<0.000000e+00> : vector<192x384xf32>
    %reduce_sum3A_7 = vector.multi_reduction <add>, %exp3A, %reduce_sum3A [0] : vector<19x192x384xf32> to vector<192x384xf32>
    %broadcast_in_dim3A_8 = vector.shape_cast %reduce_sum3A_7 : vector<192x384xf32> to vector<1x192x384xf32>
    %div3A = arith.constant 1.000000e+00 : f32
    %div3A_9 = vector.broadcast %div3A : f32 to vector<1x192x384xf32>
    %div3A_10 = arith.divf %div3A_9, %broadcast_in_dim3A_8 : vector<1x192x384xf32>
    %mul3A = arith.constant 2.048000e+03 : f32
    %mul3A_11 = vector.broadcast %mul3A : f32 to vector<1x192x384xf32>
    %mul3A_12 = arith.mulf %div3A_10, %mul3A_11 : vector<1x192x384xf32>
    %mul3A_13 = vector.broadcast %mul3A_12 : vector<1x192x384xf32> to vector<19x192x384xf32>
    %mul3A_14 = arith.mulf %exp3A, %mul3A_13 : vector<19x192x384xf32>
    %get3A_15 = arith.constant 0 : index
    %get3A_16 = arith.constant 0 : index
    %get3A_17 = arith.constant 0 : index
    %get3A_18 = vector.load %arg3[%get3A_15, %get3A_16, %get3A_17] : memref<1x192x384xi32, #tpu.memory_space<vmem>>, vector<1x192x384xi32>
    %iota3A = tpu.iota {dimensions = array<i32: 0>} : vector<19x192x384xi32>
    %eq3A = vector.broadcast %get3A_18 : vector<1x192x384xi32> to vector<19x192x384xi32>
    %eq3A_19 = arith.cmpi eq, %eq3A, %iota3A : vector<19x192x384xi32>
    %convert_element_type3A = arith.fptosi %mul3A_14 : vector<19x192x384xf32> to vector<19x192x384xi32>
    %min3A = arith.constant 2047 : i32
    %min3A_20 = vector.broadcast %min3A : i32 to vector<19x192x384xi32>
    %min3A_21 = arith.minsi %convert_element_type3A, %min3A_20 : vector<19x192x384xi32>
    %sub3A_22 = arith.constant 2.048000e+03 : f32
    %sub3A_23 = vector.broadcast %sub3A_22 : f32 to vector<19x192x384xf32>
    %sub3A_24 = arith.subf %sub3A_23, %mul3A_14 : vector<19x192x384xf32>
    %convert_element_type3A_25 = arith.fptosi %sub3A_24 : vector<19x192x384xf32> to vector<19x192x384xi32>
    %min3A_26 = arith.constant 2047 : i32
    %min3A_27 = vector.broadcast %min3A_26 : i32 to vector<19x192x384xi32>
    %min3A_28 = arith.minsi %convert_element_type3A_25, %min3A_27 : vector<19x192x384xi32>
    %add3A = arith.constant 2048 : i32
    %add3A_29 = vector.broadcast %add3A : i32 to vector<19x192x384xi32>
    %add3A_30 = arith.addi %min3A_28, %add3A_29 : vector<19x192x384xi32>
    %select_n3A = arith.select %eq3A_19, %add3A_30, %min3A_21 : vector<19x192x384xi1>, vector<19x192x384xi32>
    %slice3A = vector.extract_strided_slice %select_n3A {offsets = [0, 0, 0], sizes = [19, 96, 384], strides = [1, 1, 1]} : vector<19x192x384xi32> to vector<19x96x384xi32>
    %slice3A_31 = vector.extract_strided_slice %select_n3A {offsets = [0, 96, 0], sizes = [19, 96, 384], strides = [1, 1, 1]} : vector<19x192x384xi32> to vector<19x96x384xi32>
    %shift_left3A = arith.constant 16 : i32
    %shift_left3A_32 = vector.broadcast %shift_left3A : i32 to vector<19x96x384xi32>
    %shift_left3A_33 = arith.shli %slice3A_31, %shift_left3A_32 : vector<19x96x384xi32>
    %or3A = arith.ori %slice3A, %shift_left3A_33 : vector<19x96x384xi32>
    %swap3A = arith.constant 0 : index
    %swap3A_34 = arith.constant 0 : index
    %swap3A_35 = arith.constant 0 : index
    %swap3A_36 = arith.constant 0 : index
    %swap3A_37 = vector.load %arg4[%swap3A, %swap3A_34, %swap3A_35, %swap3A_36] : memref<1x19x96x384xi32, #tpu.memory_space<vmem>>, vector<1x19x96x384xi32>
    %swap3A_38 = vector.shape_cast %swap3A_37 : vector<1x19x96x384xi32> to vector<19x96x384xi32>
    %swap3A_39 = vector.shape_cast %or3A : vector<19x96x384xi32> to vector<1x19x96x384xi32>
    tpu.vector_store %arg4[%swap3A, %swap3A_34, %swap3A_35, %swap3A_36], %swap3A_39 {strides = array<i32>} : memref<1x19x96x384xi32, #tpu.memory_space<vmem>>, vector<1x19x96x384xi32>,
    return
  }
  func.func @transform_0(%arg0: i32, %arg1: i32) -> (i32, i32, i32, i32) {
    %c0_i32 = arith.constant 0 : i32
    %c0_i32_0 = arith.constant 0 : i32
    %c0_i32_1 = arith.constant 0 : i32
    return %arg0, %c0_i32, %arg1, %c0_i32_0 : i32, i32, i32, i32
  }
  func.func @transform_1(%arg0: i32, %arg1: i32) -> (i32, i32, i32) {
    %c0_i32 = arith.constant 0 : i32
    %c0_i32_0 = arith.constant 0 : i32
    return %arg0, %arg1, %c0_i32 : i32, i32, i32
  }
  func.func @transform_2(%arg0: i32, %arg1: i32) -> (i32, i32, i32, i32) {
    %c0_i32 = arith.constant 0 : i32
    %c0_i32_0 = arith.constant 0 : i32
    %c0_i32_1 = arith.constant 0 : i32
    return %arg0, %c0_i32, %arg1, %c0_i32_0 : i32, i32, i32, i32
  }
}

module attributes {stable_mosaic.version = 14 : i64} {
  func.func @_loss_body(%arg0: memref<32x19x4096xf32, #tpu.memory_space<vmem>>, %arg1: memref<1x1xf32, #tpu.memory_space<vmem>>) attributes {dimension_semantics = [], scalar_prefetch = 0 : i64, scratch_operands = 0 : i64, tpu.core_type = #tpu.core_type<tc>} {
    %get3A = arith.constant 0 : index
    %get3A_0 = arith.constant 0 : index
    %get3A_1 = arith.constant 0 : index
    %get3A_2 = vector.load %arg0[%get3A, %get3A_0, %get3A_1] : memref<32x19x4096xf32, #tpu.memory_space<vmem>>, vector<32x19x4096xf32>
    %reduce_sum3A = arith.constant dense<0.000000e+00> : vector<19x4096xf32>
    %reduce_sum3A_3 = vector.multi_reduction <add>, %get3A_2, %reduce_sum3A [0] : vector<32x19x4096xf32> to vector<19x4096xf32>
    %slice3A = vector.extract_strided_slice %reduce_sum3A_3 {offsets = [0, 0], sizes = [19, 2048], strides = [1, 1]} : vector<19x4096xf32> to vector<19x2048xf32>
    %slice3A_4 = vector.extract_strided_slice %reduce_sum3A_3 {offsets = [0, 2048], sizes = [19, 2048], strides = [1, 1]} : vector<19x4096xf32> to vector<19x2048xf32>
    %add3A = arith.addf %slice3A, %slice3A_4 : vector<19x2048xf32>
    %broadcast_in_dim3A = arith.constant 0.000000e+00 : f32
    %broadcast_in_dim3A_5 = vector.broadcast %broadcast_in_dim3A : f32 to vector<19x1xf32>
    %slice3A_6 = vector.extract_strided_slice %add3A {offsets = [0, 1], sizes = [19, 2047], strides = [1, 1]} : vector<19x2048xf32> to vector<19x2047xf32>
    %concatenate3A = tpu.concatenate %slice3A_6, %broadcast_in_dim3A_5 in 1 : vector<19x2047xf32>, vector<19x1xf32> -> vector<19x2048xf32>
    %add3A_7 = arith.addf %add3A, %concatenate3A : vector<19x2048xf32>
    %broadcast_in_dim3A_8 = arith.constant 0.000000e+00 : f32
    %broadcast_in_dim3A_9 = vector.broadcast %broadcast_in_dim3A_8 : f32 to vector<19x2xf32>
    %slice3A_10 = vector.extract_strided_slice %add3A_7 {offsets = [0, 2], sizes = [19, 2046], strides = [1, 1]} : vector<19x2048xf32> to vector<19x2046xf32>
    %concatenate3A_11 = tpu.concatenate %slice3A_10, %broadcast_in_dim3A_9 in 1 : vector<19x2046xf32>, vector<19x2xf32> -> vector<19x2048xf32>
    %add3A_12 = arith.addf %add3A_7, %concatenate3A_11 : vector<19x2048xf32>
    %broadcast_in_dim3A_13 = arith.constant 0.000000e+00 : f32
    %broadcast_in_dim3A_14 = vector.broadcast %broadcast_in_dim3A_13 : f32 to vector<19x4xf32>
    %slice3A_15 = vector.extract_strided_slice %add3A_12 {offsets = [0, 4], sizes = [19, 2044], strides = [1, 1]} : vector<19x2048xf32> to vector<19x2044xf32>
    %concatenate3A_16 = tpu.concatenate %slice3A_15, %broadcast_in_dim3A_14 in 1 : vector<19x2044xf32>, vector<19x4xf32> -> vector<19x2048xf32>
    %add3A_17 = arith.addf %add3A_12, %concatenate3A_16 : vector<19x2048xf32>
    %broadcast_in_dim3A_18 = arith.constant 0.000000e+00 : f32
    %broadcast_in_dim3A_19 = vector.broadcast %broadcast_in_dim3A_18 : f32 to vector<19x8xf32>
    %slice3A_20 = vector.extract_strided_slice %add3A_17 {offsets = [0, 8], sizes = [19, 2040], strides = [1, 1]} : vector<19x2048xf32> to vector<19x2040xf32>
    %concatenate3A_21 = tpu.concatenate %slice3A_20, %broadcast_in_dim3A_19 in 1 : vector<19x2040xf32>, vector<19x8xf32> -> vector<19x2048xf32>
    %add3A_22 = arith.addf %add3A_17, %concatenate3A_21 : vector<19x2048xf32>
    %broadcast_in_dim3A_23 = arith.constant 0.000000e+00 : f32
    %broadcast_in_dim3A_24 = vector.broadcast %broadcast_in_dim3A_23 : f32 to vector<19x16xf32>
    %slice3A_25 = vector.extract_strided_slice %add3A_22 {offsets = [0, 16], sizes = [19, 2032], strides = [1, 1]} : vector<19x2048xf32> to vector<19x2032xf32>
    %concatenate3A_26 = tpu.concatenate %slice3A_25, %broadcast_in_dim3A_24 in 1 : vector<19x2032xf32>, vector<19x16xf32> -> vector<19x2048xf32>
    %add3A_27 = arith.addf %add3A_22, %concatenate3A_26 : vector<19x2048xf32>
    %broadcast_in_dim3A_28 = arith.constant 0.000000e+00 : f32
    %broadcast_in_dim3A_29 = vector.broadcast %broadcast_in_dim3A_28 : f32 to vector<19x32xf32>
    %slice3A_30 = vector.extract_strided_slice %add3A_27 {offsets = [0, 32], sizes = [19, 2016], strides = [1, 1]} : vector<19x2048xf32> to vector<19x2016xf32>
    %concatenate3A_31 = tpu.concatenate %slice3A_30, %broadcast_in_dim3A_29 in 1 : vector<19x2016xf32>, vector<19x32xf32> -> vector<19x2048xf32>
    %add3A_32 = arith.addf %add3A_27, %concatenate3A_31 : vector<19x2048xf32>
    %broadcast_in_dim3A_33 = arith.constant 0.000000e+00 : f32
    %broadcast_in_dim3A_34 = vector.broadcast %broadcast_in_dim3A_33 : f32 to vector<19x64xf32>
    %slice3A_35 = vector.extract_strided_slice %add3A_32 {offsets = [0, 64], sizes = [19, 1984], strides = [1, 1]} : vector<19x2048xf32> to vector<19x1984xf32>
    %concatenate3A_36 = tpu.concatenate %slice3A_35, %broadcast_in_dim3A_34 in 1 : vector<19x1984xf32>, vector<19x64xf32> -> vector<19x2048xf32>
    %add3A_37 = arith.addf %add3A_32, %concatenate3A_36 : vector<19x2048xf32>
    %broadcast_in_dim3A_38 = arith.constant 0.000000e+00 : f32
    %broadcast_in_dim3A_39 = vector.broadcast %broadcast_in_dim3A_38 : f32 to vector<19x128xf32>
    %slice3A_40 = vector.extract_strided_slice %add3A_37 {offsets = [0, 128], sizes = [19, 1920], strides = [1, 1]} : vector<19x2048xf32> to vector<19x1920xf32>
    %concatenate3A_41 = tpu.concatenate %slice3A_40, %broadcast_in_dim3A_39 in 1 : vector<19x1920xf32>, vector<19x128xf32> -> vector<19x2048xf32>
    %add3A_42 = arith.addf %add3A_37, %concatenate3A_41 : vector<19x2048xf32>
    %broadcast_in_dim3A_43 = arith.constant 0.000000e+00 : f32
    %broadcast_in_dim3A_44 = vector.broadcast %broadcast_in_dim3A_43 : f32 to vector<19x256xf32>
    %slice3A_45 = vector.extract_strided_slice %add3A_42 {offsets = [0, 256], sizes = [19, 1792], strides = [1, 1]} : vector<19x2048xf32> to vector<19x1792xf32>
    %concatenate3A_46 = tpu.concatenate %slice3A_45, %broadcast_in_dim3A_44 in 1 : vector<19x1792xf32>, vector<19x256xf32> -> vector<19x2048xf32>
    %add3A_47 = arith.addf %add3A_42, %concatenate3A_46 : vector<19x2048xf32>
    %broadcast_in_dim3A_48 = arith.constant 0.000000e+00 : f32
    %broadcast_in_dim3A_49 = vector.broadcast %broadcast_in_dim3A_48 : f32 to vector<19x512xf32>
    %slice3A_50 = vector.extract_strided_slice %add3A_47 {offsets = [0, 512], sizes = [19, 1536], strides = [1, 1]} : vector<19x2048xf32> to vector<19x1536xf32>
    %concatenate3A_51 = tpu.concatenate %slice3A_50, %broadcast_in_dim3A_49 in 1 : vector<19x1536xf32>, vector<19x512xf32> -> vector<19x2048xf32>
    %add3A_52 = arith.addf %add3A_47, %concatenate3A_51 : vector<19x2048xf32>
    %broadcast_in_dim3A_53 = arith.constant 0.000000e+00 : f32
    %broadcast_in_dim3A_54 = vector.broadcast %broadcast_in_dim3A_53 : f32 to vector<19x1024xf32>
    %slice3A_55 = vector.extract_strided_slice %add3A_52 {offsets = [0, 1024], sizes = [19, 1024], strides = [1, 1]} : vector<19x2048xf32> to vector<19x1024xf32>
    %concatenate3A_56 = tpu.concatenate %slice3A_55, %broadcast_in_dim3A_54 in 1 : vector<19x1024xf32>, vector<19x1024xf32> -> vector<19x2048xf32>
    %add3A_57 = arith.addf %add3A_52, %concatenate3A_56 : vector<19x2048xf32>
    %broadcast_in_dim3A_58 = arith.constant 0.000000e+00 : f32
    %broadcast_in_dim3A_59 = vector.broadcast %broadcast_in_dim3A_58 : f32 to vector<19x1xf32>
    %slice3A_60 = vector.extract_strided_slice %slice3A_4 {offsets = [0, 1], sizes = [19, 2047], strides = [1, 1]} : vector<19x2048xf32> to vector<19x2047xf32>
    %concatenate3A_61 = tpu.concatenate %slice3A_60, %broadcast_in_dim3A_59 in 1 : vector<19x2047xf32>, vector<19x1xf32> -> vector<19x2048xf32>
    %add3A_62 = arith.addf %slice3A_4, %concatenate3A_61 : vector<19x2048xf32>
    %broadcast_in_dim3A_63 = arith.constant 0.000000e+00 : f32
    %broadcast_in_dim3A_64 = vector.broadcast %broadcast_in_dim3A_63 : f32 to vector<19x2xf32>
    %slice3A_65 = vector.extract_strided_slice %add3A_62 {offsets = [0, 2], sizes = [19, 2046], strides = [1, 1]} : vector<19x2048xf32> to vector<19x2046xf32>
    %concatenate3A_66 = tpu.concatenate %slice3A_65, %broadcast_in_dim3A_64 in 1 : vector<19x2046xf32>, vector<19x2xf32> -> vector<19x2048xf32>
    %add3A_67 = arith.addf %add3A_62, %concatenate3A_66 : vector<19x2048xf32>
    %broadcast_in_dim3A_68 = arith.constant 0.000000e+00 : f32
    %broadcast_in_dim3A_69 = vector.broadcast %broadcast_in_dim3A_68 : f32 to vector<19x4xf32>
    %slice3A_70 = vector.extract_strided_slice %add3A_67 {offsets = [0, 4], sizes = [19, 2044], strides = [1, 1]} : vector<19x2048xf32> to vector<19x2044xf32>
    %concatenate3A_71 = tpu.concatenate %slice3A_70, %broadcast_in_dim3A_69 in 1 : vector<19x2044xf32>, vector<19x4xf32> -> vector<19x2048xf32>
    %add3A_72 = arith.addf %add3A_67, %concatenate3A_71 : vector<19x2048xf32>
    %broadcast_in_dim3A_73 = arith.constant 0.000000e+00 : f32
    %broadcast_in_dim3A_74 = vector.broadcast %broadcast_in_dim3A_73 : f32 to vector<19x8xf32>
    %slice3A_75 = vector.extract_strided_slice %add3A_72 {offsets = [0, 8], sizes = [19, 2040], strides = [1, 1]} : vector<19x2048xf32> to vector<19x2040xf32>
    %concatenate3A_76 = tpu.concatenate %slice3A_75, %broadcast_in_dim3A_74 in 1 : vector<19x2040xf32>, vector<19x8xf32> -> vector<19x2048xf32>
    %add3A_77 = arith.addf %add3A_72, %concatenate3A_76 : vector<19x2048xf32>
    %broadcast_in_dim3A_78 = arith.constant 0.000000e+00 : f32
    %broadcast_in_dim3A_79 = vector.broadcast %broadcast_in_dim3A_78 : f32 to vector<19x16xf32>
    %slice3A_80 = vector.extract_strided_slice %add3A_77 {offsets = [0, 16], sizes = [19, 2032], strides = [1, 1]} : vector<19x2048xf32> to vector<19x2032xf32>
    %concatenate3A_81 = tpu.concatenate %slice3A_80, %broadcast_in_dim3A_79 in 1 : vector<19x2032xf32>, vector<19x16xf32> -> vector<19x2048xf32>
    %add3A_82 = arith.addf %add3A_77, %concatenate3A_81 : vector<19x2048xf32>
    %broadcast_in_dim3A_83 = arith.constant 0.000000e+00 : f32
    %broadcast_in_dim3A_84 = vector.broadcast %broadcast_in_dim3A_83 : f32 to vector<19x32xf32>
    %slice3A_85 = vector.extract_strided_slice %add3A_82 {offsets = [0, 32], sizes = [19, 2016], strides = [1, 1]} : vector<19x2048xf32> to vector<19x2016xf32>
    %concatenate3A_86 = tpu.concatenate %slice3A_85, %broadcast_in_dim3A_84 in 1 : vector<19x2016xf32>, vector<19x32xf32> -> vector<19x2048xf32>
    %add3A_87 = arith.addf %add3A_82, %concatenate3A_86 : vector<19x2048xf32>
    %broadcast_in_dim3A_88 = arith.constant 0.000000e+00 : f32
    %broadcast_in_dim3A_89 = vector.broadcast %broadcast_in_dim3A_88 : f32 to vector<19x64xf32>
    %slice3A_90 = vector.extract_strided_slice %add3A_87 {offsets = [0, 64], sizes = [19, 1984], strides = [1, 1]} : vector<19x2048xf32> to vector<19x1984xf32>
    %concatenate3A_91 = tpu.concatenate %slice3A_90, %broadcast_in_dim3A_89 in 1 : vector<19x1984xf32>, vector<19x64xf32> -> vector<19x2048xf32>
    %add3A_92 = arith.addf %add3A_87, %concatenate3A_91 : vector<19x2048xf32>
    %broadcast_in_dim3A_93 = arith.constant 0.000000e+00 : f32
    %broadcast_in_dim3A_94 = vector.broadcast %broadcast_in_dim3A_93 : f32 to vector<19x128xf32>
    %slice3A_95 = vector.extract_strided_slice %add3A_92 {offsets = [0, 128], sizes = [19, 1920], strides = [1, 1]} : vector<19x2048xf32> to vector<19x1920xf32>
    %concatenate3A_96 = tpu.concatenate %slice3A_95, %broadcast_in_dim3A_94 in 1 : vector<19x1920xf32>, vector<19x128xf32> -> vector<19x2048xf32>
    %add3A_97 = arith.addf %add3A_92, %concatenate3A_96 : vector<19x2048xf32>
    %broadcast_in_dim3A_98 = arith.constant 0.000000e+00 : f32
    %broadcast_in_dim3A_99 = vector.broadcast %broadcast_in_dim3A_98 : f32 to vector<19x256xf32>
    %slice3A_100 = vector.extract_strided_slice %add3A_97 {offsets = [0, 256], sizes = [19, 1792], strides = [1, 1]} : vector<19x2048xf32> to vector<19x1792xf32>
    %concatenate3A_101 = tpu.concatenate %slice3A_100, %broadcast_in_dim3A_99 in 1 : vector<19x1792xf32>, vector<19x256xf32> -> vector<19x2048xf32>
    %add3A_102 = arith.addf %add3A_97, %concatenate3A_101 : vector<19x2048xf32>
    %broadcast_in_dim3A_103 = arith.constant 0.000000e+00 : f32
    %broadcast_in_dim3A_104 = vector.broadcast %broadcast_in_dim3A_103 : f32 to vector<19x512xf32>
    %slice3A_105 = vector.extract_strided_slice %add3A_102 {offsets = [0, 512], sizes = [19, 1536], strides = [1, 1]} : vector<19x2048xf32> to vector<19x1536xf32>
    %concatenate3A_106 = tpu.concatenate %slice3A_105, %broadcast_in_dim3A_104 in 1 : vector<19x1536xf32>, vector<19x512xf32> -> vector<19x2048xf32>
    %add3A_107 = arith.addf %add3A_102, %concatenate3A_106 : vector<19x2048xf32>
    %broadcast_in_dim3A_108 = arith.constant 0.000000e+00 : f32
    %broadcast_in_dim3A_109 = vector.broadcast %broadcast_in_dim3A_108 : f32 to vector<19x1024xf32>
    %slice3A_110 = vector.extract_strided_slice %add3A_107 {offsets = [0, 1024], sizes = [19, 1024], strides = [1, 1]} : vector<19x2048xf32> to vector<19x1024xf32>
    %concatenate3A_111 = tpu.concatenate %slice3A_110, %broadcast_in_dim3A_109 in 1 : vector<19x1024xf32>, vector<19x1024xf32> -> vector<19x2048xf32>
    %add3A_112 = arith.addf %add3A_107, %concatenate3A_111 : vector<19x2048xf32>
    %slice3A_113 = vector.extract_strided_slice %add3A_112 {offsets = [0, 0], sizes = [19, 1], strides = [1, 1]} : vector<19x2048xf32> to vector<19x1xf32>
    %add3A_114 = vector.broadcast %slice3A_113 : vector<19x1xf32> to vector<19x2048xf32>
    %add3A_115 = arith.addf %add3A_114, %add3A_57 : vector<19x2048xf32>
    %sub3A = arith.subf %add3A_115, %add3A_112 : vector<19x2048xf32>
    %max3A = arith.constant 1.000000e+00 : f32
    %max3A_116 = vector.broadcast %max3A : f32 to vector<19x2048xf32>
    %max3A_117 = arith.maximumf %sub3A, %max3A_116 : vector<19x2048xf32>
    %lt3A = arith.constant 5.000000e-01 : f32
    %lt3A_118 = vector.broadcast %lt3A : f32 to vector<19x2048xf32>
    %lt3A_119 = arith.cmpf olt, %add3A_57, %lt3A_118 : vector<19x2048xf32>
    %sub3A_120 = vector.broadcast %slice3A_113 : vector<19x1xf32> to vector<19x2048xf32>
    %sub3A_121 = arith.subf %sub3A_120, %add3A_112 : vector<19x2048xf32>
    %div3A = arith.divf %sub3A_121, %max3A_117 : vector<19x2048xf32>
    %sub3A_122 = arith.constant 1.000000e+00 : f32
    %sub3A_123 = vector.broadcast %sub3A_122 : f32 to vector<19x2048xf32>
    %sub3A_124 = arith.subf %sub3A_123, %div3A : vector<19x2048xf32>
    %jit3A = arith.constant 0.000000e+00 : f32
    %broadcast_in_dim3A_125 = vector.broadcast %jit3A : f32 to vector<19x2048xf32>
    %select_n3A = arith.select %lt3A_119, %broadcast_in_dim3A_125, %sub3A_124 : vector<19x2048xi1>, vector<19x2048xf32>
    %slice3A_126 = vector.extract_strided_slice %select_n3A {offsets = [0, 1], sizes = [19, 2047], strides = [1, 1]} : vector<19x2048xf32> to vector<19x2047xf32>
    %broadcast_in_dim3A_127 = arith.constant 0.000000e+00 : f32
    %broadcast_in_dim3A_128 = vector.broadcast %broadcast_in_dim3A_127 : f32 to vector<19x1xf32>
    %concatenate3A_129 = tpu.concatenate %slice3A_126, %broadcast_in_dim3A_128 in 1 : vector<19x2047xf32>, vector<19x1xf32> -> vector<19x2048xf32>
    %iota3A = tpu.iota {dimensions = array<i32: 1>} : vector<19x2048xi32>
    %convert_element_type3A = arith.sitofp %iota3A : vector<19x2048xi32> to vector<19x2048xf32>
    %add3A_130 = arith.constant 5.000000e-01 : f32
    %add3A_131 = vector.broadcast %add3A_130 : f32 to vector<19x2048xf32>
    %add3A_132 = arith.addf %convert_element_type3A, %add3A_131 : vector<19x2048xf32>
    %mul3A = arith.constant 4.8828125E-4 : f32
    %mul3A_133 = vector.broadcast %mul3A : f32 to vector<19x2048xf32>
    %mul3A_134 = arith.mulf %add3A_132, %mul3A_133 : vector<19x2048xf32>
    %sub3A_135 = arith.subf %select_n3A, %concatenate3A_129 : vector<19x2048xf32>
    %mul3A_136 = arith.mulf %sub3A_135, %mul3A_134 : vector<19x2048xf32>
    %reduce_sum3A_137 = vector.shape_cast %mul3A_136 : vector<19x2048xf32> to vector<1x19x2048xf32>
    %reduce_sum3A_138 = arith.constant dense<0.000000e+00> : vector<1xf32>
    %reduce_sum3A_139 = vector.multi_reduction <add>, %reduce_sum3A_137, %reduce_sum3A_138 [1, 2] : vector<1x19x2048xf32> to vector<1xf32>
    %reduce_sum3A_140 = vector.shape_cast %reduce_sum3A_139 : vector<1xf32> to vector<1x1x1xf32>
    %reduce_sum3A_141 = vector.extract %reduce_sum3A_140[0, 0, 0] : f32 from vector<1x1x1xf32>
    %mul3A_142 = arith.constant 0.0526315793 : f32
    %mul3A_143 = arith.mulf %reduce_sum3A_141, %mul3A_142 : f32
    %broadcast_in_dim3A_144 = arith.constant 1.000000e+00 : f32
    %broadcast_in_dim3A_145 = vector.broadcast %broadcast_in_dim3A_144 : f32 to vector<1x1xf32>
    %mul3A_146 = vector.broadcast %mul3A_143 : f32 to vector<1x1xf32>
    %mul3A_147 = arith.mulf %mul3A_146, %broadcast_in_dim3A_145 : vector<1x1xf32>
    %swap3A = arith.constant 0 : index
    %swap3A_148 = arith.constant 0 : index
    %swap3A_149 = vector.load %arg1[%swap3A, %swap3A_148] : memref<1x1xf32, #tpu.memory_space<vmem>>, vector<1x1xf32>
    tpu.vector_store %arg1[%swap3A, %swap3A_148], %mul3A_147 {strides = array<i32>} : memref<1x1xf32, #tpu.memory_space<vmem>>, vector<1x1xf32>,
    return
  }
}

</mosaic_0001>

<sc_bundles>
// kernel: kernel.5.cloned.1.call-start
scs
__scs_entry_jumppad:
0x0: {  	(pc) =	sbr.rel $0x88, $3  }
0x1: {  	(tag) =	ssettag $0x0;
	lr =	simm.s32 $0x1  }
0x2: {  	[smem:$0x3F9F] =	sst lr;
	_ =	strace $0xD0000000  }
0x3: {  	_ = 	snop  }
0x4: {  	_ = 	snop  }
0x5: {  	_ = 	snop  }
0x6: {  	_ = 	snop  }
0x7: {  	_ = 	snop  }
__scs_overlays_trampoline_lowered:
0x8: {  	[smem:$0x3FAE] =	sst s0  }
0x9: {  	[smem:$0x3FAF] =	sst s1  }
0xa: {  	[smem:$0x3FB0] =	sst s2  }
0xb: {  	[smem:$0x3FB1] =	sst s3  }
0xc: {  	[smem:$0x3FB2] =	sst s4  }
0xd: {  	[smem:$0x3FB3] =	sst s5  }
0xe: {  	[smem:$0x3FB4] =	sst s6  }
0xf: {  	[smem:$0x3FB5] =	sst s7  }
0x10: {  	[smem:$0x3FB6] =	sst s8  }
0x11: {  	[smem:$0x3FB7] =	sst s9;
	s0 =	simm.s32 @!p0 $0x0  }
0x12: {  	s1 =	sld [smem:$0x3F9D];
	s0 =	simm.s32 @p0 $0x1  }
0x13: {  	[smem:$0x3FB8] =	sst s0;
	s0 =	simm.s32 @!p1 $0x0  }
0x14: {  	s2 =	sld [smem:$0x3F9C];
	s0 =	simm.s32 @p1 $0x1  }
0x15: {  	[smem:$0x3FB9] =	sst s0;
	s0 =	simm.s32 @!p2 $0x0  }
0x16: {  	s3 =	sld [smem:$0x3FDB];
	s0 =	simm.s32 @p2 $0x1  }
0x17: {  	s4 =	simm.s32 $0x1BF5;
	[smem:$0x3FBB] =	sst s0  }
0x18: {  	s0 =	sld [smem:$0x3F9E];
	_ =	swait.ge [sflag:s4], $0x0  }
0x19: {  	s7 =	sld [smem:$0x3F9F]  }
0x1a: {  	s8 =	sadd.s32 $0xFFFFE003, lr  }
0x1b: {  	s9 =	sadd.s32 $0xFFFFFEF7, lr;
	s5 =	simm.s32 $0xFFFFFFFF;
	p2 =	slt.u32 s8, $0xFFFFF086  }
0x1c: {  	p1 =	slt.u32 s9, $0xF7A;
	s5 =	simm.s32 @!p2 $0x0  }
0x1d: {  	s5 =	simm.s32 @p1 $0x1;
	p0 =	seq.s32 s7, s2  }
0x1e: {  	s7 =	smul.u32 @!p0 $0xF7A, s2;
	p2 =	seq.s32 @!p0 s5, $0x0  }
0x1f: {  	s9 =	smul.u32 $0xF7A, s1;
	s8 =	simm.s32 @!p0 $0x1BF5;
	p2 =	por !p2, p0  }
0x20: {  	[sflag:s8] =	ssyncset.s32 @!p0 $0xFFFFF086;
	s6 =	sadd.s32 @!p0 s3, s7;
	s7 =	simm.s32 @!p0 $0x108  }
0x21: {  	s3 =	sadd.s32 s3, s9;
	s6 =	sadd.s32 @!p0 $0x88, s6;
	s7 =	simm.s32 @p2 $0x1082  }
0x22: {  	[simem:s7], [sflag:s8] =	dma.local @!p0 [hbm:s6], $0xF7A  }
0x23: {  	s9 =	sor.u32 $0xD0000000, s2;
	s6 =	simm.s32 $0x108;
	_ =	swait.ge @!p0 [sflag:s8], $0x0  }
0x24: {  	s3 =	sadd.s32 $0x88, s3;
	s6 =	simm.s32 @!p1 $0x1082;
	[sflag:s4] =	ssyncset.s32 $0xFFFFF086  }
0x25: {  	[simem:s6], [sflag:s4] =	dma.local [hbm:s3], $0xF7A  }
0x26: {  	[smem:$0x3F9F] =	sst s1;
	(tag) =	ssettag s2;
	_ =	strace s9  }
0x27: {  	s1 =	sld [smem:$0x3FAF]  }
0x28: {  	s2 =	sld [smem:$0x3FB0]  }
0x29: {  	s4 =	sld [smem:$0x3FB2]  }
0x2a: {  	p0 =	seq.s32 s5, $0x0;
	s5 =	sld [smem:$0x3FB3]  }
0x2b: {  	s6 =	sld [smem:$0x3FB4]  }
0x2c: {  	s7 =	sld [smem:$0x3FB5]  }
0x2d: {  	s3 =	simm.s32 $0x108;
	s8 =	sld [smem:$0x3FB6]  }
0x2e: {  	s3 =	simm.s32 @!p0 $0x1082;
	s9 =	sld [smem:$0x3FB7]  }
0x2f: {  	lr =	sadd.s32 s0, s3;
	s0 =	sld [smem:$0x3FAE]  }
0x30: {  	s3 =	sld [smem:$0x3FB1]  }
0x31: {  	[smem:$0x3FBA] =	sst s10  }
0x32: {  	s10 =	sld [smem:$0x3FB8];
	_ =	sdelay $0x3  }
0x33: {  	p0 =	seq.s32 s10, $0x1;
	s10 =	sld [smem:$0x3FBA];
	_ =	sdelay $0x3  }
0x34: {  	[smem:$0x3FBA] =	sst s10  }
0x35: {  	s10 =	sld [smem:$0x3FB9];
	_ =	sdelay $0x3  }
0x36: {  	p1 =	seq.s32 s10, $0x1;
	s10 =	sld [smem:$0x3FBA];
	_ =	sdelay $0x3  }
0x37: {  	[smem:$0x3FBA] =	sst s10  }
0x38: {  	s10 =	sld [smem:$0x3FBB]  }
0x39: {  	_ = 	snop;
	(pc) =	sbr.ind lr, $3  }
0x3a: {  	_ = 	snop  }
0x3b: {  	_ = 	snop  }
0x3c: {  	p2 =	seq.s32 s10, $0x1;
	s10 =	sld [smem:$0x3FBA]  }
0x3d: {  	_ =	shalt  }
0x3e: {  	_ =	shalt  }
0x3f: {  	_ =	shalt  }
0x40: {  	_ =	shalt  }
0x41: {  	_ =	shalt  }
0x42: {  	_ =	shalt  }
0x43: {  	_ =	shalt  }
0x44: {  	_ =	shalt  }
0x45: {  	_ =	shalt  }
0x46: {  	_ =	shalt  }
0x47: {  	_ =	shalt  }
0x48: {  	_ =	shalt  }
0x49: {  	_ =	shalt  }
0x4a: {  	_ =	shalt  }
0x4b: {  	_ =	shalt  }
0x4c: {  	_ =	shalt  }
0x4d: {  	_ =	shalt  }
0x4e: {  	_ =	shalt  }
0x4f: {  	_ =	shalt  }
0x50: {  	_ =	shalt  }
0x51: {  	_ =	shalt  }
0x52: {  	_ =	shalt  }
0x53: {  	_ =	shalt  }
0x54: {  	_ =	shalt  }
0x55: {  	_ =	shalt  }
0x56: {  	_ =	shalt  }
0x57: {  	_ =	shalt  }
0x58: {  	_ =	shalt  }
0x59: {  	_ =	shalt  }
0x5a: {  	_ =	shalt  }
0x5b: {  	_ =	shalt  }
0x5c: {  	_ =	shalt  }
0x5d: {  	_ =	shalt  }
0x5e: {  	_ =	shalt  }
0x5f: {  	_ =	shalt  }
0x60: {  	_ =	shalt  }
0x61: {  	_ =	shalt  }
0x62: {  	_ =	shalt  }
0x63: {  	_ =	shalt  }
0x64: {  	_ =	shalt  }
0x65: {  	_ =	shalt  }
0x66: {  	_ =	shalt  }
0x67: {  	_ =	shalt  }
0x68: {  	_ =	shalt  }
0x69: {  	_ =	shalt  }
0x6a: {  	_ =	shalt  }
0x6b: {  	_ =	shalt  }
0x6c: {  	_ =	shalt  }
0x6d: {  	_ =	shalt  }
0x6e: {  	_ =	shalt  }
0x6f: {  	_ =	shalt  }
0x70: {  	_ =	shalt  }
0x71: {  	_ =	shalt  }
0x72: {  	_ =	shalt  }
0x73: {  	_ =	shalt  }
0x74: {  	_ =	shalt  }
0x75: {  	_ =	shalt  }
0x76: {  	_ =	shalt  }
0x77: {  	_ =	shalt  }
0x78: {  	_ =	shalt  }
0x79: {  	_ =	shalt  }
0x7a: {  	_ =	shalt  }
0x7b: {  	_ =	shalt  }
0x7c: {  	_ =	shalt  }
0x7d: {  	_ =	shalt  }
0x7e: {  	_ =	shalt  }
0x7f: {  	_ =	shalt  }
0x80: {  	_ =	shalt  }
0x81: {  	_ =	shalt  }
0x82: {  	_ =	shalt  }
0x83: {  	_ =	shalt  }
0x84: {  	_ =	shalt  }
0x85: {  	_ =	shalt  }
0x86: {  	_ =	shalt  }
0x87: {  	_ =	shalt  }
.Lfunc_end0:
.L_simem_size_0:
called_computation_lowered:
.L_overlay_start_0:
0x88: {  	s2 =	sld [smem:$0x3FD9]  }
0x89: {  	s3 =	sld [smem:$0x3FFE];
	_ =	sdelay $0x1  }
0x8a: {  	s1 =	srdreg.scid  }
0x8b: {  	s0 =	sand.u32 $0x1, s1  }
0x8c: {  	s16 =	sshll.u32 s0, $0xA;
	s2 =	sadd.s32 s3, s2  }
0x8d: {  	s2 =	sadd.s32 s2, s16  }
0x8e: {  	[smem:$0x3FC6] =	sst s2  }
0x8f: {  	_ = 	snop  }
0x90: {  	(tm) =	ssettm $0x1  }
0x91: {  	s17 =	sld [smem:$0x3FFB];
	_ =	sdelay $0x3  }
0x92: {  	_ =	strace s17  }
0x93: {  	s2 =	sld [smem:$0x3FFC];
	_ =	sdelay $0x3  }
0x94: {  	_ =	strace s2  }
0x95: {  	s2 =	sld [smem:$0x3FFD];
	_ =	sdelay $0x3  }
0x96: {  	_ =	strace s2  }
0x97: {  	_ =	strace $0x8FFFFFFF  }
0x98: {  	s18 =	sld [smem:$0x3FDB];
	_ =	sdelay $0x1  }
0x99: {  	s19 =	simm.s32 $_scs_section_size  }
0x9a: {  	s4 =	simm.s32 $_size__tile_overlayer_lowered;
	s5 =	simm.s32 $_tile_overlayer_lowered  }
0x9b: {  	s22 =	simm.s32 $0x1BFF;
	s21 =	sshll.u32 s5, $0x1;
	s2 =	sadd.s32 s19, s18  }
0x9c: {  	s6 =	simm.s32 $0x0;
	s20 =	sshll.u32 s4, $0x1;
	s4 =	sadd.s32 s21, s2  }
0x9d: {  	[timem:s6], [sflag:s22] =	dma.local [hbm:s4], s20  }
0x9e: {  	_ =	swait.ge [sflag:s22], s20  }
0x9f: {  	s3 =	ssub.s32 $0x0, s20;
	[sflag:s22] =	ssyncset.done $0x0  }
0xa0: {  	[sflag:s22] =	ssyncadd.s32 s3;
	_ =	sdelay $0x1  }
0xa1: {  	s23 =	simm.s32 $0x1B8B  }
0xa2: {  	_ =	swait.ge [sflag:s23], $0x1  }
0xa3: {  	[sflag:s23] =	ssyncset.done $0x0  }
0xa4: {  	s25 =	simm.s32 $0x1B8E;
	s24 =	sld [smem:$0x3FFE];
	[sflag:s23] =	ssyncadd.s32 $0xFFFFFFFF  }
0xa5: {  	s26 =	simm.s32 $execute0_lowered;
	[smem:$0x3FD2] =	sst s25  }
0xa6: {  	s4 =	sshll.u32 s26, $0x1;
	_ =	strace $0x80000046;
	[dreg:$0x1] =	wrdreg $0xFFFFFFFF  }
0xa7: {  	s28 =	simm.s32 $_size_execute0_lowered;
	s2 =	sadd.s32 s2, s4;
	[dreg:$0x0] =	wrdreg $0x0  }
0xa8: {  	s4 =	sshll.u32 s28, $0x1;
	[dreg:$0x2] =	wrdreg s2  }
0xa9: {  	[dreg:$0x3] =	wrdreg s4  }
0xaa: {  	[dreg:$0x4] =	wrdreg $0xC0  }
0xab: {  	_ =	task [dreg:s6], $0x5FFFF  }
0xac: {  	[dreg:$0x1] =	wrdreg $0xFFFFFFFF  }
0xad: {  	[dreg:$0x0] =	wrdreg $0x60  }
0xae: {  	[dreg:$0x2] =	wrdreg s24  }
0xaf: {  	[dreg:$0x3] =	wrdreg $0x9  }
0xb0: {  	_ =	task.clear_ibuf [dreg:s6], $0x4FFFF;
	_ =	strace $0x90000046  }
0xb1: {  	s29 =	simm.s32 $0x9;
	_ =	strace $0x80000048  }
0xb2: {  	_ =	swait.ge [sflag:s29], $0x1  }
0xb3: {  	[sflag:s29] =	ssyncadd.s32 $0xFFFFFFFF  }
0xb4: {  	_ =	strace $0x90000048  }
0xb5: {  	_ =	sfence  }
0xb6: {  	s30 =	sld [smem:$0x0];
	_ =	sdelay $0x2  }
0xb7: {  	s31 =	sshll.u32 s1, $0xD;
	s1 =	sshrl.u32 s1, $0x2  }
0xb8: {  	s3 =	sand.u32 $0x4000, s31;
	s1 =	sadd.s32 s1, s30  }
0xb9: {  	s0 =	sor.u32 s3, s0;
	s1 =	sshll.u32 s1, $0x11  }
0xba: {  	s0 =	sor.u32 s1, s0  }
0xbb: {  	s0 =	sadd.s32 $0x8F2B, s0  }
0xbc: {  	[sflag:s0] =	ssyncadd.remote.s32 $0x1  }
0xbd: {  	_ =	sfence.sel $0xFFFF  }
0xbe: {  	[dreg:$0x0] =	wrdreg $0xFFFFFFFF;
	(pc) =	sbr.abs _section_cstart, $3  }
0xbf: {  	[dreg:$0x1] =	wrdreg $0xFFFFFFFF  }
0xc0: {  	_ =	task.clear_ibuf [dreg:s6], $0x2FFFF;
	_ =	strace $0x9FFFFFFF  }
0xc1: {  	(tm) =	ssettm $0x7FFFFFFF  }
tec
execute0_lowered:
.L_overlay_start_1:
0x0: {  	(tag) =	ssettag $0x1  }
0x1: {  	s1 =	srdreg.scid  }
0x2: {  	s0 =	stileid.u32;
	s4 =	rddreg [dreg:$0x0];
	s2 =	simm.s32 $0x0  }
0x3: {  	s13 =	simm.s32 $0x2400;
	s14 =	simm.s32 $0x2;
	s15 =	simm.s32 $0x3  }
0x4: {  	s3 =	sand.u32 $0x1, s1;
	s5 =	sshll.u32 s0, $0x1;
	s1 =	rddreg [dreg:$0x1]  }
0x5: {  	s16 =	simm.s32 $0x0;
	[smem:$0x7FF] =	sst s2;
	s6 =	sor.u32 s3, s5  }
0x6: {  	_ =	strace $0x80000047;
	s7 =	ssub.s32 $0x2, s3;
	s8 =	smul.u32 $0x55800, s6  }
0x7: {  	s3 =	sadd.s32 $0x156600, s4;
	s5 =	smul.u32 $0x2600, s6;
	s9 =	sshrl.u32 s7, $0x1  }
0x8: {  	s6 =	smul.u32 $0x4C, s6;
	s12 =	ssub.s32 s7, s9;
	s10 =	sshrl.u32 s8, $0x3  }
0x9: {  	s11 =	sadd.s32 s5, s4;
	s7 =	sadd.s32 $0x2400, s8;
	s8 =	sadd.s32 $0x3600, s8  }
0xa: {  	s4 =	sadd.s32 s3, s10;
	s9 =	sadd.s32 $0x600, s11;
	s10 =	smax.u32 s12, $0x1  }
0xb: {  	v0 =	vimm.f32 $0.0e+00;
	v1 =	vimm.f32 $1.000000000e+00;
	s11 =	simm.s32 $0x1200;
	s12 =	simm.s32 $0x1;
	s5 =	sadd.s32 $0x240, s4  }
.LBB2_1:
0xc: {  	[tilespmem:s2], [sflag:$0x1] =	stream.linear.gather [hbm4b:s4+s2], $0x1200, $0x38;
	[tilespmem:$0x15400] =	vst v63  }
0xd: {  	s17 =	simm.s32 $0x2440  }
0xe: {  	[tilespmem:s11], [sflag:$0x2] =	stream.linear.gather [hbm4b:s5+s2], $0x1200, $0x38;
	[tilespmem:$0x15400] =	vst v63  }
0xf: {  	[tilespmem:s17+$0xFFFFFFC0] =	vst v0  }
0x10: {  	[tilespmem:s17+$0x30] =	vst v0  }
0x11: {  	[tilespmem:s17+$0x20] =	vst v0  }
0x12: {  	[tilespmem:s17+$0x10] =	vst v0  }
0x13: {  	[tilespmem:s17+$0x0] =	vst v0  }
0x14: {  	[tilespmem:s17+$0xFFFFFFF0] =	vst v0  }
0x15: {  	s18 =	simm.s32 $0x0;
	[tilespmem:s17+$0xFFFFFFE0] =	vst v0  }
.LBB2_2:
0x16: {  	s18 =	sadd.s32 $0x8, s18;
	[tilespmem:s17+$0xFFFFFFD0] =	vst v0;
	s17 =	sadd.s32 $0x80, s17  }
0x17: {  	[tilespmem:s17+$0xFFFFFFC0] =	vst v0;
	p0 =	slt.u32 s18, $0x12F8  }
0x18: {  	[tilespmem:s17+$0x30] =	vst v0  }
.Ltmp0:
0x19: {  	[tilespmem:s17+$0x20] =	vst v0;
	(pc) =	sbr.rel @p0 .LBB2_2-.Ltmp0, $4  }
0x1a: {  	[tilespmem:s17+$0x10] =	vst v0  }
0x1b: {  	[tilespmem:s17+$0x0] =	vst v0  }
0x1c: {  	[tilespmem:s17+$0xFFFFFFF0] =	vst v0  }
0x1d: {  	[tilespmem:s17+$0xFFFFFFE0] =	vst v0  }
0x1e: {  	[tilespmem:s17+$0xFFFFFFD0] =	vst v0;
	s17 =	simm.s32 $0x0  }
.LBB2_4:
0x1f: {  	s18 =	sshll.u32 s17, $0x1;
	_ =	swait.ge [sflag:s12], $0x1200  }
0x20: {  	s18 =	sadd.s32 s6, s18;
	[sflag:s12] =	ssyncset.done $0x0  }
0x21: {  	s19 =	sshrl.u32 s18, $0x4;
	[sflag:s12] =	ssyncadd.s32 $0xFFFFEE00;
	s18 =	simm.s32 $0x80  }
0x22: {  	v3 =	vld [tilespmem:s18+$0xFFFFFF80]  }
0x23: {  	v6 =	vld [tilespmem:s18+$0x70]  }
0x24: {  	v8 =	vld [tilespmem:s18+$0x60]  }
0x25: {  	v11 =	vld [tilespmem:s18+$0x50]  }
0x26: {  	v21 =	vld [tilespmem:s18+$0x40]  }
0x27: {  	v25 =	vld [tilespmem:s18+$0x30]  }
0x28: {  	v18 =	vld [tilespmem:s18+$0xFFFFFFF0]  }
0x29: {  	v29 =	vld [tilespmem:s18+$0xFFFFFFE0]  }
0x2a: {  	v30 =	vld [tilespmem:s18+$0xFFFFFFC0];
	v4 =	vand.u32 $0xFF80, v3  }
0x2b: {  	s20 =	smulhi.u32 $0xD79435F, s19;
	v31 =	vld [tilespmem:s18+$0xFFFFFFB0];
	v5 =	vshra.s32 v3, $0x10;
	v7 =	vand.u32 $0x7F, v3;
	v20 =	vand.u32 $0xFF80, v6  }
0x2c: {  	v35 =	vld [tilespmem:s18+$0xFFFFFF90];
	v10 =	vand.u32 $0xFF80, v8;
	v23 =	vand.u32 $0x7F, v8;
	v12 =	vshra.s32 v6, $0x10  }
0x2d: {  	s20 =	smul.u32 $0x13, s20;
	v13 =	vand.u32 $0xFF80, v11;
	v6 =	vand.u32 $0x7F, v6;
	v8 =	vshra.s32 v8, $0x10  }
0x2e: {  	v16 =	vshra.s32 v18, $0x10;
	v15 =	vand.u32 $0x7F, v18;
	v14 =	vand.u32 $0x7F, v29  }
0x2f: {  	s19 =	ssub.s32 s19, s20;
	v18 =	vand.u32 $0xFF80, v18;
	v36 =	vshra.s32 v29, $0x10;
	v32 =	vand.u32 $0xFF80, v30  }
0x30: {  	s19 =	sshll.u32 s19, $0xC;
	v37 =	vshra.s32 v30, $0x10;
	v39 =	vand.u32 $0xFF80, v31;
	v61 =	vshra.s32 v21, $0x10  }
0x31: {  	v41 =	vand.u32 $0xFF80, v35;
	v63 =	vand.u32 $0xFF80, v25;
	v2 =	vmov s19  }
0x32: {  	v9 =	vadd.s32 v2, v4;
	v22 =	vadd.s32 v2, v5;
	v26 =	vadd.s32 v2, v10  }
0x33: {  	v3 =	vld [tilespmem:s18+$0x0];
	v27 =	vadd.s32 v2, v12;
	v10 =	vand.u32 $0xFF80, v21;
	v13 =	vadd.s32 v2, v13  }
0x34: {  	v5 =	vld [tilespmem:s18+$0x20];
	v19 =	vadd.s32 v2, v8;
	v8 =	vshra.s32 v11, $0x10;
	v20 =	vadd.s32 v2, v20  }
0x35: {  	v4 =	vld [tilespmem:s18+$0x10];
	v21 =	vand.u32 $0x7F, v21;
	v28 =	vor.u32 v7, v9;
	v34 =	vadd.s32 v2, v10  }
0x36: {  	v9 =	vand.u32 $0x7F, v11;
	v7 =	vld [tilespmem:s18+$0xFFFFFFD0];
	v11 =	vshra.s32 v25, $0x10;
	v38 =	vor.u32 v6, v20  }
0x37: {  	v20 =	vadd.s32 v2, v32;
	v6 =	vadd.s32 v2, v37;
	v24 =	vor.u32 v9, v13;
	v13 =	vld [tilespmem:s18+$0xFFFFFFA0]  }
0x38: {  	v60 =	vadd.s32 v2, v8;
	v62 =	vor.u32 v23, v26;
	v23 =	vand.u32 $0x7F, v35  }
0x39: {  	v26 =	vadd.s32 v2, v39;
	v11 =	vadd.s32 v2, v11;
	v17 =	vand.u32 $0xFF80, v3  }
0x3a: {  	v12 =	vand.u32 $0xFF80, v5;
	v10 =	vand.u32 $0xFF80, v4;
	v9 =	vand.u32 $0x7F, v4;
	[tilespmem:v28+s13+$0x0] =	vst.idx.add.f32.msk $0xffff, v1  }
0x3b: {  	v10 =	vadd.s32 v2, v10;
	v33 =	vand.u32 $0xFF80, v7;
	v28 =	vadd.s32 v2, v41;
	[tilespmem:v38+s13+$0x0] =	vst.idx.add.f32.msk $0xffff, v1  }
0x3c: {  	v8 =	vand.u32 $0xFF80, v13;
	[tilespmem:v24+s13+$0x0] =	vst.idx.add.f32.msk $0xffff, v1;
	v24 =	vand.u32 $0x7F, v3;
	v28 =	vor.u32 v23, v28  }
0x3d: {  	[tilespmem:v22+s13+$0x0] =	vst.idx.add.f32.msk $0xffff, v1;
	v23 =	vand.u32 $0x7F, v13;
	v22 =	vadd.s32 v2, v61;
	v40 =	vadd.s32 v2, v8  }
0x3e: {  	[tilespmem:v27+s13+$0x0] =	vst.idx.add.f32.msk $0xffff, v1;
	v27 =	vand.u32 $0x7F, v31;
	v8 =	vshra.s32 v31, $0x10;
	v32 =	vor.u32 v23, v40  }
0x3f: {  	[tilespmem:v62+s13+$0x0] =	vst.idx.add.f32.msk $0xffff, v1;
	v31 =	vand.u32 $0x7F, v30;
	v30 =	vand.u32 $0xFF80, v29;
	v29 =	vor.u32 v21, v34  }
0x40: {  	v21 =	vadd.s32 v2, v36;
	v34 =	vadd.s32 v2, v63;
	v8 =	vadd.s32 v2, v8  }
0x41: {  	s19 =	simm.s32 $0x0;
	[tilespmem:v60+s13+$0x0] =	vst.idx.add.f32.msk $0xffff, v1;
	v23 =	vadd.s32 v2, v33;
	v33 =	vand.u32 $0x7F, v25;
	v25 =	vshra.s32 v35, $0x10  }
.LBB2_5:
0x42: {  	s19 =	sadd.s32 $0x10, s19;
	v13 =	vshra.s32 v13, $0x10;
	v35 =	vshra.s32 v7, $0x10;
	v33 =	vor.u32 v33, v34;
	[tilespmem:v19+s13+$0x0] =	vst.idx.add.f32.msk $0xffff, v1;
	s18 =	sadd.s32 $0x100, s18  }
0x43: {  	v19 =	vor.u32 v31, v20;
	v7 =	vand.u32 $0x7F, v7;
	v20 =	vand.u32 $0x7F, v5;
	p0 =	slt.u32 s19, $0x110;
	[tilespmem:v32+s13+$0x0] =	vst.idx.add.f32.msk $0xffff, v1  }
0x44: {  	v26 =	vor.u32 v27, v26;
	v17 =	vadd.s32 v2, v17;
	v12 =	vadd.s32 v2, v12;
	v31 =	vld [tilespmem:s18+$0x60]  }
0x45: {  	v18 =	vadd.s32 v2, v18;
	v16 =	vadd.s32 v2, v16;
	v12 =	vor.u32 v20, v12;
	v27 =	vld [tilespmem:s18+$0xFFFFFF80]  }
0x46: {  	v5 =	vshra.s32 v5, $0x10;
	v20 =	vadd.s32 v2, v30;
	v17 =	vor.u32 v24, v17;
	[tilespmem:v28+s13+$0x0] =	vst.idx.add.f32.msk $0xffff, v1  }
0x47: {  	v9 =	vor.u32 v9, v10;
	v15 =	vor.u32 v15, v18;
	v14 =	vor.u32 v14, v20;
	v24 =	vld [tilespmem:s18+$0x70]  }
0x48: {  	v10 =	vadd.s32 v2, v25;
	v4 =	vshra.s32 v4, $0x10;
	v5 =	vadd.s32 v2, v5;
	[tilespmem:v33+s13+$0x0] =	vst.idx.add.f32.msk $0xffff, v1  }
0x49: {  	v3 =	vshra.s32 v3, $0x10;
	v18 =	vadd.s32 v2, v35;
	v7 =	vor.u32 v7, v23;
	[tilespmem:v29+s13+$0x0] =	vst.idx.add.f32.msk $0xffff, v1  }
0x4a: {  	v13 =	vadd.s32 v2, v13;
	v4 =	vadd.s32 v2, v4;
	[tilespmem:v11+s13+$0x0] =	vst.idx.add.f32.msk $0xffff, v1  }
0x4b: {  	[tilespmem:v22+s13+$0x0] =	vst.idx.add.f32.msk $0xffff, v1  }
0x4c: {  	[tilespmem:v12+s13+$0x0] =	vst.idx.add.f32.msk $0xffff, v1  }
0x4d: {  	[tilespmem:v5+s13+$0x0] =	vst.idx.add.f32.msk $0xffff, v1  }
0x4e: {  	[tilespmem:v9+s13+$0x0] =	vst.idx.add.f32.msk $0xffff, v1  }
0x4f: {  	[tilespmem:v4+s13+$0x0] =	vst.idx.add.f32.msk $0xffff, v1  }
0x50: {  	v3 =	vadd.s32 v2, v3;
	[tilespmem:v15+s13+$0x0] =	vst.idx.add.f32.msk $0xffff, v1  }
0x51: {  	[tilespmem:v17+s13+$0x0] =	vst.idx.add.f32.msk $0xffff, v1  }
0x52: {  	[tilespmem:v16+s13+$0x0] =	vst.idx.add.f32.msk $0xffff, v1  }
0x53: {  	[tilespmem:v14+s13+$0x0] =	vst.idx.add.f32.msk $0xffff, v1  }
0x54: {  	[tilespmem:v19+s13+$0x0] =	vst.idx.add.f32.msk $0xffff, v1  }
0x55: {  	[tilespmem:v3+s13+$0x0] =	vst.idx.add.f32.msk $0xffff, v1  }
0x56: {  	[tilespmem:v21+s13+$0x0] =	vst.idx.add.f32.msk $0xffff, v1  }
0x57: {  	[tilespmem:v6+s13+$0x0] =	vst.idx.add.f32.msk $0xffff, v1  }
0x58: {  	[tilespmem:v26+s13+$0x0] =	vst.idx.add.f32.msk $0xffff, v1  }
0x59: {  	[tilespmem:v8+s13+$0x0] =	vst.idx.add.f32.msk $0xffff, v1  }
0x5a: {  	[tilespmem:v7+s13+$0x0] =	vst.idx.add.f32.msk $0xffff, v1  }
0x5b: {  	[tilespmem:v18+s13+$0x0] =	vst.idx.add.f32.msk $0xffff, v1  }
0x5c: {  	[tilespmem:v10+s13+$0x0] =	vst.idx.add.f32.msk $0xffff, v1  }
0x5d: {  	[tilespmem:v13+s13+$0x0] =	vst.idx.add.f32.msk $0xffff, v1  }
0x5e: {  	v6 =	vld [tilespmem:s18+$0x50]  }
0x5f: {  	v8 =	vld [tilespmem:s18+$0x40]  }
0x60: {  	v4 =	vshra.s32 v27, $0x10;
	v3 =	vand.u32 $0xFF80, v27;
	v7 =	vand.u32 $0x7F, v27;
	v21 =	vld [tilespmem:s18+$0x30]  }
0x61: {  	v20 =	vand.u32 $0xFF80, v24;
	v22 =	vadd.s32 v2, v4;
	v9 =	vadd.s32 v2, v3;
	v5 =	vld [tilespmem:s18+$0x20]  }
0x62: {  	v23 =	vand.u32 $0x7F, v31;
	v11 =	vshra.s32 v24, $0x10;
	v10 =	vand.u32 $0xFF80, v31;
	v4 =	vld [tilespmem:s18+$0x10]  }
0x63: {  	v26 =	vadd.s32 v2, v11;
	v25 =	vadd.s32 v2, v10;
	v3 =	vld [tilespmem:s18+$0x0];
	v12 =	vand.u32 $0xFF80, v6  }
0x64: {  	v24 =	vand.u32 $0x7F, v24;
	v11 =	vld [tilespmem:s18+$0xFFFFFFF0];
	v10 =	vand.u32 $0xFF80, v8;
	v13 =	vadd.s32 v2, v12  }
0x65: {  	v27 =	vor.u32 v7, v9;
	v9 =	vand.u32 $0x7F, v6;
	v29 =	vld [tilespmem:s18+$0xFFFFFFE0];
	v34 =	vadd.s32 v2, v10  }
0x66: {  	v28 =	vor.u32 v9, v13;
	v10 =	vshra.s32 v31, $0x10;
	v7 =	vld [tilespmem:s18+$0xFFFFFFD0];
	v12 =	vand.u32 $0xFF80, v5  }
0x67: {  	v19 =	vadd.s32 v2, v10;
	v30 =	vld [tilespmem:s18+$0xFFFFFFC0];
	v13 =	vand.u32 $0xFF80, v4;
	v9 =	vand.u32 $0x7F, v4  }
0x68: {  	v32 =	vshra.s32 v6, $0x10;
	v31 =	vld [tilespmem:s18+$0xFFFFFFB0];
	v17 =	vand.u32 $0xFF80, v3;
	v10 =	vadd.s32 v2, v13  }
0x69: {  	v6 =	vshra.s32 v21, $0x10;
	v13 =	vld [tilespmem:s18+$0xFFFFFFA0];
	v16 =	vshra.s32 v11, $0x10;
	v15 =	vand.u32 $0x7F, v11  }
0x6a: {  	v18 =	vand.u32 $0xFF80, v11;
	v11 =	vadd.s32 v2, v6;
	v35 =	vld [tilespmem:s18+$0xFFFFFF90];
	v14 =	vand.u32 $0x7F, v29  }
0x6b: {  	v6 =	vadd.s32 v2, v20;
	v36 =	vshra.s32 v29, $0x10;
	v33 =	vand.u32 $0xFF80, v7;
	[tilespmem:v28+s13+$0x0] =	vst.idx.add.f32.msk $0xffff, v1  }
0x6c: {  	v28 =	vor.u32 v24, v6;
	[tilespmem:v27+s13+$0x0] =	vst.idx.add.f32.msk $0xffff, v1;
	v20 =	vand.u32 $0xFF80, v30;
	v27 =	vshra.s32 v30, $0x10  }
0x6d: {  	v37 =	vadd.s32 v2, v32;
	v20 =	vadd.s32 v2, v20;
	v6 =	vadd.s32 v2, v27  }
0x6e: {  	v32 =	vshra.s32 v8, $0x10;
	v27 =	vand.u32 $0xFF80, v31;
	v24 =	vand.u32 $0xFF80, v13  }
0x6f: {  	v39 =	vand.u32 $0x7F, v8;
	[tilespmem:v22+s13+$0x0] =	vst.idx.add.f32.msk $0xffff, v1;
	v38 =	vadd.s32 v2, v24;
	v22 =	vshra.s32 v31, $0x10  }
0x70: {  	v40 =	vand.u32 $0xFF80, v35;
	v24 =	vand.u32 $0x7F, v3;
	v8 =	vadd.s32 v2, v22  }
0x71: {  	v41 =	vor.u32 v23, v25;
	v22 =	vadd.s32 v2, v40;
	v40 =	vand.u32 $0x7F, v35;
	[tilespmem:v28+s13+$0x0] =	vst.idx.add.f32.msk $0xffff, v1  }
.Ltmp1:
0x72: {  	v23 =	vand.u32 $0x7F, v13;
	v28 =	vor.u32 v40, v22;
	v22 =	vadd.s32 v2, v32;
	[tilespmem:v26+s13+$0x0] =	vst.idx.add.f32.msk $0xffff, v1;
	(pc) =	sbr.rel @p0 .LBB2_5-.Ltmp1, $4  }
0x73: {  	v32 =	vor.u32 v23, v38;
	v38 =	vand.u32 $0xFF80, v21;
	v26 =	vadd.s32 v2, v27  }
0x74: {  	v23 =	vadd.s32 v2, v33;
	v33 =	vand.u32 $0x7F, v21;
	v27 =	vand.u32 $0x7F, v31;
	[tilespmem:v37+s13+$0x0] =	vst.idx.add.f32.msk $0xffff, v1  }
0x75: {  	v31 =	vand.u32 $0x7F, v30;
	v30 =	vand.u32 $0xFF80, v29;
	v29 =	vor.u32 v39, v34  }
0x76: {  	v25 =	vshra.s32 v35, $0x10;
	v21 =	vadd.s32 v2, v36;
	v34 =	vadd.s32 v2, v38;
	[tilespmem:v41+s13+$0x0] =	vst.idx.add.f32.msk $0xffff, v1  }
0x77: {  	_ =	sdelay $0x3  }
0x78: {  	v33 =	vor.u32 v33, v34;
	[tilespmem:v19+s13+$0x0] =	vst.idx.add.f32.msk $0xffff, v1  }
0x79: {  	[tilespmem:v32+s13+$0x0] =	vst.idx.add.f32.msk $0xffff, v1;
	v9 =	vor.u32 v9, v10  }
0x7a: {  	v19 =	vand.u32 $0x7F, v5;
	v12 =	vadd.s32 v2, v12;
	[tilespmem:v28+s13+$0x0] =	vst.idx.add.f32.msk $0xffff, v1  }
0x7b: {  	v4 =	vshra.s32 v4, $0x10;
	[tilespmem:v29+s13+$0x0] =	vst.idx.add.f32.msk $0xffff, v1;
	v12 =	vor.u32 v19, v12  }
0x7c: {  	v10 =	vadd.s32 v2, v18;
	v4 =	vadd.s32 v2, v4;
	[tilespmem:v22+s13+$0x0] =	vst.idx.add.f32.msk $0xffff, v1  }
0x7d: {  	v5 =	vshra.s32 v5, $0x10;
	v10 =	vor.u32 v15, v10;
	[tilespmem:v33+s13+$0x0] =	vst.idx.add.f32.msk $0xffff, v1  }
0x7e: {  	v5 =	vadd.s32 v2, v5;
	[tilespmem:v9+s13+$0x0] =	vst.idx.add.f32.msk $0xffff, v1  }
0x7f: {  	v9 =	vor.u32 v31, v20;
	[tilespmem:v11+s13+$0x0] =	vst.idx.add.f32.msk $0xffff, v1  }
0x80: {  	[tilespmem:v12+s13+$0x0] =	vst.idx.add.f32.msk $0xffff, v1;
	v12 =	vadd.s32 v2, v16  }
0x81: {  	[tilespmem:v4+s13+$0x0] =	vst.idx.add.f32.msk $0xffff, v1  }
0x82: {  	v15 =	vadd.s32 v2, v30;
	[tilespmem:v10+s13+$0x0] =	vst.idx.add.f32.msk $0xffff, v1;
	v4 =	vor.u32 v27, v26  }
0x83: {  	v11 =	vadd.s32 v2, v17;
	[tilespmem:v5+s13+$0x0] =	vst.idx.add.f32.msk $0xffff, v1;
	v5 =	vor.u32 v14, v15  }
0x84: {  	v3 =	vshra.s32 v3, $0x10;
	v11 =	vor.u32 v24, v11;
	[tilespmem:v9+s13+$0x0] =	vst.idx.add.f32.msk $0xffff, v1  }
0x85: {  	v3 =	vadd.s32 v2, v3;
	[tilespmem:v12+s13+$0x0] =	vst.idx.add.f32.msk $0xffff, v1  }
0x86: {  	[tilespmem:v6+s13+$0x0] =	vst.idx.add.f32.msk $0xffff, v1  }
0x87: {  	[tilespmem:v4+s13+$0x0] =	vst.idx.add.f32.msk $0xffff, v1  }
0x88: {  	v9 =	vadd.s32 v2, v25;
	[tilespmem:v5+s13+$0x0] =	vst.idx.add.f32.msk $0xffff, v1;
	v5 =	vand.u32 $0x7F, v7  }
0x89: {  	[tilespmem:v11+s13+$0x0] =	vst.idx.add.f32.msk $0xffff, v1;
	v7 =	vshra.s32 v7, $0x10;
	v5 =	vor.u32 v5, v23  }
0x8a: {  	[tilespmem:v3+s13+$0x0] =	vst.idx.add.f32.msk $0xffff, v1;
	v3 =	vadd.s32 v2, v7;
	v7 =	vshra.s32 v13, $0x10  }
0x8b: {  	p0 =	seq.s32 s17, $0x25;
	[tilespmem:v8+s13+$0x0] =	vst.idx.add.f32.msk $0xffff, v1;
	v6 =	vadd.s32 v2, v7  }
0x8c: {  	s18 =	smul.u32 @!p0 $0x2400, s17;
	[tilespmem:v21+s13+$0x0] =	vst.idx.add.f32.msk $0xffff, v1  }
0x8d: {  	[tilespmem:v9+s13+$0x0] =	vst.idx.add.f32.msk $0xffff, v1  }
0x8e: {  	s19 =	sadd.s32 @!p0 s18, s7;
	[tilespmem:v5+s13+$0x0] =	vst.idx.add.f32.msk $0xffff, v1  }
0x8f: {  	s19 =	sshrl.u32 @!p0 s19, $0x3;
	[tilespmem:v3+s13+$0x0] =	vst.idx.add.f32.msk $0xffff, v1  }
0x90: {  	s20 =	simm.s32 @!p0 $0x0;
	s19 =	sadd.s32 @!p0 s3, s19;
	[tilespmem:v6+s13+$0x0] =	vst.idx.add.f32.msk $0xffff, v1  }
0x91: {  	[tilespmem:s20], [sflag:$0x1] =	stream.linear.gather @!p0 [hbm4b:s19+s20], $0x1200, $0x38;
	[tilespmem:$0x15400] =	vst v63  }
0x92: {  	_ =	swait.ge [sflag:s14], $0x1200  }
0x93: {  	[sflag:s14] =	ssyncset.done $0x0  }
0x94: {  	s19 =	simm.s32 $0x1280;
	[sflag:s14] =	ssyncadd.s32 $0xFFFFEE00  }
0x95: {  	v3 =	vld [tilespmem:s19+$0xFFFFFF80]  }
0x96: {  	v6 =	vld [tilespmem:s19+$0x70]  }
0x97: {  	v8 =	vld [tilespmem:s19+$0x60]  }
0x98: {  	v11 =	vld [tilespmem:s19+$0x50]  }
0x99: {  	v21 =	vld [tilespmem:s19+$0x40]  }
0x9a: {  	v25 =	vld [tilespmem:s19+$0x30]  }
0x9b: {  	v18 =	vld [tilespmem:s19+$0xFFFFFFF0]  }
0x9c: {  	v29 =	vld [tilespmem:s19+$0xFFFFFFE0]  }
0x9d: {  	v30 =	vld [tilespmem:s19+$0xFFFFFFC0]  }
0x9e: {  	v31 =	vld [tilespmem:s19+$0xFFFFFFB0];
	v4 =	vand.u32 $0xFF80, v3;
	v5 =	vshra.s32 v3, $0x10;
	v7 =	vand.u32 $0x7F, v3  }
0x9f: {  	v35 =	vld [tilespmem:s19+$0xFFFFFF90];
	v20 =	vand.u32 $0xFF80, v6;
	v10 =	vand.u32 $0xFF80, v8;
	v23 =	vand.u32 $0x7F, v8  }
0xa0: {  	v12 =	vshra.s32 v6, $0x10;
	v13 =	vand.u32 $0xFF80, v11;
	v6 =	vand.u32 $0x7F, v6  }
0xa1: {  	v8 =	vshra.s32 v8, $0x10;
	v16 =	vshra.s32 v18, $0x10;
	v15 =	vand.u32 $0x7F, v18  }
0xa2: {  	v14 =	vand.u32 $0x7F, v29;
	v18 =	vand.u32 $0xFF80, v18;
	v36 =	vshra.s32 v29, $0x10  }
0xa3: {  	v59 =	vand.u32 $0xFF80, v30;
	v37 =	vshra.s32 v30, $0x10;
	v39 =	vand.u32 $0xFF80, v31  }
0xa4: {  	v61 =	vshra.s32 v21, $0x10;
	v41 =	vand.u32 $0xFF80, v35;
	v63 =	vand.u32 $0xFF80, v25  }
0xa5: {  	v33 =	vand.u32 $0x7F, v25;
	v9 =	vadd.s32 v2, v4;
	v22 =	vadd.s32 v2, v5  }
0xa6: {  	v26 =	vadd.s32 v2, v10;
	v27 =	vadd.s32 v2, v12;
	v10 =	vand.u32 $0xFF80, v21  }
0xa7: {  	v3 =	vld [tilespmem:s19+$0x0];
	v13 =	vadd.s32 v2, v13;
	v19 =	vadd.s32 v2, v8;
	v8 =	vshra.s32 v11, $0x10  }
0xa8: {  	v5 =	vld [tilespmem:s19+$0x20];
	v20 =	vadd.s32 v2, v20;
	v21 =	vand.u32 $0x7F, v21;
	v28 =	vor.u32 v7, v9  }
0xa9: {  	v4 =	vld [tilespmem:s19+$0x10];
	v34 =	vadd.s32 v2, v63;
	v9 =	vand.u32 $0x7F, v11;
	v38 =	vor.u32 v6, v20  }
0xaa: {  	v57 =	vadd.s32 v2, v10;
	v62 =	vor.u32 v23, v26;
	v24 =	vor.u32 v9, v13;
	v13 =	vld [tilespmem:s19+$0xFFFFFFA0]  }
0xab: {  	v11 =	vshra.s32 v25, $0x10;
	v20 =	vadd.s32 v2, v59;
	v6 =	vadd.s32 v2, v37  }
0xac: {  	v7 =	vld [tilespmem:s19+$0xFFFFFFD0];
	v60 =	vadd.s32 v2, v8;
	v23 =	vand.u32 $0x7F, v35;
	v26 =	vadd.s32 v2, v39  }
0xad: {  	v25 =	vshra.s32 v35, $0x10;
	v11 =	vadd.s32 v2, v11;
	v17 =	vand.u32 $0xFF80, v3;
	[tilespmem:v28+s13+$0x0] =	vst.idx.add.f32.msk $0xffff, v1  }
0xae: {  	v12 =	vand.u32 $0xFF80, v5;
	v10 =	vand.u32 $0xFF80, v4;
	v9 =	vand.u32 $0x7F, v4;
	[tilespmem:v38+s13+$0x0] =	vst.idx.add.f32.msk $0xffff, v1  }
0xaf: {  	v10 =	vadd.s32 v2, v10;
	v28 =	vadd.s32 v2, v41;
	[tilespmem:v62+s13+$0x0] =	vst.idx.add.f32.msk $0xffff, v1;
	v8 =	vand.u32 $0xFF80, v13  }
0xb0: {  	[tilespmem:v24+s13+$0x0] =	vst.idx.add.f32.msk $0xffff, v1;
	v28 =	vor.u32 v23, v28;
	v23 =	vand.u32 $0x7F, v13;
	v40 =	vadd.s32 v2, v8  }
0xb1: {  	v58 =	vand.u32 $0xFF80, v7;
	v24 =	vand.u32 $0x7F, v3;
	[tilespmem:v22+s13+$0x0] =	vst.idx.add.f32.msk $0xffff, v1;
	v32 =	vor.u32 v23, v40  }
0xb2: {  	v22 =	vadd.s32 v2, v61;
	[tilespmem:v27+s13+$0x0] =	vst.idx.add.f32.msk $0xffff, v1;
	v27 =	vand.u32 $0x7F, v31;
	v8 =	vshra.s32 v31, $0x10  }
0xb3: {  	[tilespmem:v60+s13+$0x0] =	vst.idx.add.f32.msk $0xffff, v1;
	v31 =	vand.u32 $0x7F, v30;
	v30 =	vand.u32 $0xFF80, v29;
	v29 =	vor.u32 v21, v57  }
0xb4: {  	s17 =	sadd.s32 $0x1, s17;
	s20 =	simm.s32 $0x0;
	v21 =	vadd.s32 v2, v36;
	v8 =	vadd.s32 v2, v8;
	v23 =	vadd.s32 v2, v58  }
.LBB2_7:
0xb5: {  	s20 =	sadd.s32 $0x10, s20;
	v13 =	vshra.s32 v13, $0x10;
	v35 =	vshra.s32 v7, $0x10;
	v33 =	vor.u32 v33, v34;
	[tilespmem:v19+s13+$0x0] =	vst.idx.add.f32.msk $0xffff, v1;
	s19 =	sadd.s32 $0x100, s19  }
0xb6: {  	v19 =	vor.u32 v31, v20;
	v7 =	vand.u32 $0x7F, v7;
	v20 =	vand.u32 $0x7F, v5;
	p1 =	slt.u32 s20, $0x110;
	[tilespmem:v32+s13+$0x0] =	vst.idx.add.f32.msk $0xffff, v1  }
0xb7: {  	v26 =	vor.u32 v27, v26;
	v17 =	vadd.s32 v2, v17;
	v12 =	vadd.s32 v2, v12;
	v31 =	vld [tilespmem:s19+$0x60]  }
0xb8: {  	v18 =	vadd.s32 v2, v18;
	v16 =	vadd.s32 v2, v16;
	v12 =	vor.u32 v20, v12;
	v27 =	vld [tilespmem:s19+$0xFFFFFF80]  }
0xb9: {  	v5 =	vshra.s32 v5, $0x10;
	v20 =	vadd.s32 v2, v30;
	v17 =	vor.u32 v24, v17;
	[tilespmem:v28+s13+$0x0] =	vst.idx.add.f32.msk $0xffff, v1  }
0xba: {  	v9 =	vor.u32 v9, v10;
	v15 =	vor.u32 v15, v18;
	v14 =	vor.u32 v14, v20;
	v24 =	vld [tilespmem:s19+$0x70]  }
0xbb: {  	v10 =	vadd.s32 v2, v25;
	v4 =	vshra.s32 v4, $0x10;
	v5 =	vadd.s32 v2, v5;
	[tilespmem:v33+s13+$0x0] =	vst.idx.add.f32.msk $0xffff, v1  }
0xbc: {  	v3 =	vshra.s32 v3, $0x10;
	v18 =	vadd.s32 v2, v35;
	v7 =	vor.u32 v7, v23;
	[tilespmem:v29+s13+$0x0] =	vst.idx.add.f32.msk $0xffff, v1  }
0xbd: {  	v13 =	vadd.s32 v2, v13;
	v4 =	vadd.s32 v2, v4;
	[tilespmem:v11+s13+$0x0] =	vst.idx.add.f32.msk $0xffff, v1  }
0xbe: {  	[tilespmem:v22+s13+$0x0] =	vst.idx.add.f32.msk $0xffff, v1  }
0xbf: {  	[tilespmem:v12+s13+$0x0] =	vst.idx.add.f32.msk $0xffff, v1  }
0xc0: {  	[tilespmem:v5+s13+$0x0] =	vst.idx.add.f32.msk $0xffff, v1  }
0xc1: {  	[tilespmem:v9+s13+$0x0] =	vst.idx.add.f32.msk $0xffff, v1  }
0xc2: {  	[tilespmem:v4+s13+$0x0] =	vst.idx.add.f32.msk $0xffff, v1  }
0xc3: {  	v3 =	vadd.s32 v2, v3;
	[tilespmem:v15+s13+$0x0] =	vst.idx.add.f32.msk $0xffff, v1  }
0xc4: {  	[tilespmem:v17+s13+$0x0] =	vst.idx.add.f32.msk $0xffff, v1  }
0xc5: {  	[tilespmem:v16+s13+$0x0] =	vst.idx.add.f32.msk $0xffff, v1  }
0xc6: {  	[tilespmem:v14+s13+$0x0] =	vst.idx.add.f32.msk $0xffff, v1  }
0xc7: {  	[tilespmem:v19+s13+$0x0] =	vst.idx.add.f32.msk $0xffff, v1  }
0xc8: {  	[tilespmem:v3+s13+$0x0] =	vst.idx.add.f32.msk $0xffff, v1  }
0xc9: {  	[tilespmem:v21+s13+$0x0] =	vst.idx.add.f32.msk $0xffff, v1  }
0xca: {  	[tilespmem:v6+s13+$0x0] =	vst.idx.add.f32.msk $0xffff, v1  }
0xcb: {  	[tilespmem:v26+s13+$0x0] =	vst.idx.add.f32.msk $0xffff, v1  }
0xcc: {  	[tilespmem:v8+s13+$0x0] =	vst.idx.add.f32.msk $0xffff, v1  }
0xcd: {  	[tilespmem:v7+s13+$0x0] =	vst.idx.add.f32.msk $0xffff, v1  }
0xce: {  	[tilespmem:v18+s13+$0x0] =	vst.idx.add.f32.msk $0xffff, v1  }
0xcf: {  	[tilespmem:v10+s13+$0x0] =	vst.idx.add.f32.msk $0xffff, v1  }
0xd0: {  	[tilespmem:v13+s13+$0x0] =	vst.idx.add.f32.msk $0xffff, v1  }
0xd1: {  	v6 =	vld [tilespmem:s19+$0x50]  }
0xd2: {  	v8 =	vld [tilespmem:s19+$0x40]  }
0xd3: {  	v4 =	vshra.s32 v27, $0x10;
	v3 =	vand.u32 $0xFF80, v27;
	v7 =	vand.u32 $0x7F, v27;
	v21 =	vld [tilespmem:s19+$0x30]  }
0xd4: {  	v20 =	vand.u32 $0xFF80, v24;
	v22 =	vadd.s32 v2, v4;
	v9 =	vadd.s32 v2, v3;
	v5 =	vld [tilespmem:s19+$0x20]  }
0xd5: {  	v23 =	vand.u32 $0x7F, v31;
	v11 =	vshra.s32 v24, $0x10;
	v10 =	vand.u32 $0xFF80, v31;
	v4 =	vld [tilespmem:s19+$0x10]  }
0xd6: {  	v26 =	vadd.s32 v2, v11;
	v25 =	vadd.s32 v2, v10;
	v3 =	vld [tilespmem:s19+$0x0];
	v12 =	vand.u32 $0xFF80, v6  }
0xd7: {  	v24 =	vand.u32 $0x7F, v24;
	v11 =	vld [tilespmem:s19+$0xFFFFFFF0];
	v10 =	vand.u32 $0xFF80, v8;
	v13 =	vadd.s32 v2, v12  }
0xd8: {  	v27 =	vor.u32 v7, v9;
	v9 =	vand.u32 $0x7F, v6;
	v29 =	vld [tilespmem:s19+$0xFFFFFFE0];
	v34 =	vadd.s32 v2, v10  }
0xd9: {  	v28 =	vor.u32 v9, v13;
	v10 =	vshra.s32 v31, $0x10;
	v7 =	vld [tilespmem:s19+$0xFFFFFFD0];
	v12 =	vand.u32 $0xFF80, v5  }
0xda: {  	v19 =	vadd.s32 v2, v10;
	v30 =	vld [tilespmem:s19+$0xFFFFFFC0];
	v13 =	vand.u32 $0xFF80, v4;
	v9 =	vand.u32 $0x7F, v4  }
0xdb: {  	v32 =	vshra.s32 v6, $0x10;
	v31 =	vld [tilespmem:s19+$0xFFFFFFB0];
	v17 =	vand.u32 $0xFF80, v3;
	v10 =	vadd.s32 v2, v13  }
0xdc: {  	v6 =	vshra.s32 v21, $0x10;
	v13 =	vld [tilespmem:s19+$0xFFFFFFA0];
	v16 =	vshra.s32 v11, $0x10;
	v15 =	vand.u32 $0x7F, v11  }
0xdd: {  	v18 =	vand.u32 $0xFF80, v11;
	v11 =	vadd.s32 v2, v6;
	v35 =	vld [tilespmem:s19+$0xFFFFFF90];
	v14 =	vand.u32 $0x7F, v29  }
0xde: {  	v6 =	vadd.s32 v2, v20;
	v36 =	vshra.s32 v29, $0x10;
	v33 =	vand.u32 $0xFF80, v7;
	[tilespmem:v28+s13+$0x0] =	vst.idx.add.f32.msk $0xffff, v1  }
0xdf: {  	v28 =	vor.u32 v24, v6;
	[tilespmem:v27+s13+$0x0] =	vst.idx.add.f32.msk $0xffff, v1;
	v20 =	vand.u32 $0xFF80, v30;
	v27 =	vshra.s32 v30, $0x10  }
0xe0: {  	v37 =	vadd.s32 v2, v32;
	v20 =	vadd.s32 v2, v20;
	v6 =	vadd.s32 v2, v27  }
0xe1: {  	v32 =	vshra.s32 v8, $0x10;
	v27 =	vand.u32 $0xFF80, v31;
	v24 =	vand.u32 $0xFF80, v13  }
0xe2: {  	v39 =	vand.u32 $0x7F, v8;
	[tilespmem:v22+s13+$0x0] =	vst.idx.add.f32.msk $0xffff, v1;
	v38 =	vadd.s32 v2, v24;
	v22 =	vshra.s32 v31, $0x10  }
0xe3: {  	v40 =	vand.u32 $0xFF80, v35;
	v24 =	vand.u32 $0x7F, v3;
	v8 =	vadd.s32 v2, v22  }
0xe4: {  	v41 =	vor.u32 v23, v25;
	v22 =	vadd.s32 v2, v40;
	v40 =	vand.u32 $0x7F, v35;
	[tilespmem:v28+s13+$0x0] =	vst.idx.add.f32.msk $0xffff, v1  }
.Ltmp2:
0xe5: {  	v23 =	vand.u32 $0x7F, v13;
	v28 =	vor.u32 v40, v22;
	v22 =	vadd.s32 v2, v32;
	[tilespmem:v26+s13+$0x0] =	vst.idx.add.f32.msk $0xffff, v1;
	(pc) =	sbr.rel @p1 .LBB2_7-.Ltmp2, $4  }
0xe6: {  	v32 =	vor.u32 v23, v38;
	v38 =	vand.u32 $0xFF80, v21;
	v26 =	vadd.s32 v2, v27  }
0xe7: {  	v23 =	vadd.s32 v2, v33;
	v33 =	vand.u32 $0x7F, v21;
	v27 =	vand.u32 $0x7F, v31;
	[tilespmem:v37+s13+$0x0] =	vst.idx.add.f32.msk $0xffff, v1  }
0xe8: {  	v31 =	vand.u32 $0x7F, v30;
	v30 =	vand.u32 $0xFF80, v29;
	v29 =	vor.u32 v39, v34  }
0xe9: {  	v25 =	vshra.s32 v35, $0x10;
	v21 =	vadd.s32 v2, v36;
	v34 =	vadd.s32 v2, v38;
	[tilespmem:v41+s13+$0x0] =	vst.idx.add.f32.msk $0xffff, v1  }
0xea: {  	_ =	sdelay $0x3  }
0xeb: {  	v33 =	vor.u32 v33, v34;
	[tilespmem:v19+s13+$0x0] =	vst.idx.add.f32.msk $0xffff, v1  }
0xec: {  	[tilespmem:v32+s13+$0x0] =	vst.idx.add.f32.msk $0xffff, v1;
	v9 =	vor.u32 v9, v10  }
0xed: {  	[tilespmem:v28+s13+$0x0] =	vst.idx.add.f32.msk $0xffff, v1;
	v58 =	vor.u32 v31, v20  }
0xee: {  	[tilespmem:v29+s13+$0x0] =	vst.idx.add.f32.msk $0xffff, v1;
	v59 =	vor.u32 v27, v26  }
0xef: {  	v63 =	vadd.s32 v2, v25;
	[tilespmem:v22+s13+$0x0] =	vst.idx.add.f32.msk $0xffff, v1  }
0xf0: {  	v51 =	vand.u32 $0x7F, v5;
	v12 =	vadd.s32 v2, v12;
	[tilespmem:v33+s13+$0x0] =	vst.idx.add.f32.msk $0xffff, v1  }
0xf1: {  	v4 =	vshra.s32 v4, $0x10;
	v12 =	vor.u32 v51, v12;
	[tilespmem:v9+s13+$0x0] =	vst.idx.add.f32.msk $0xffff, v1  }
0xf2: {  	v53 =	vadd.s32 v2, v18;
	v4 =	vadd.s32 v2, v4;
	[tilespmem:v58+s13+$0x0] =	vst.idx.add.f32.msk $0xffff, v1  }
0xf3: {  	v56 =	vadd.s32 v2, v30;
	v10 =	vor.u32 v15, v53;
	[tilespmem:v59+s13+$0x0] =	vst.idx.add.f32.msk $0xffff, v1  }
0xf4: {  	v57 =	vor.u32 v14, v56;
	[tilespmem:v63+s13+$0x0] =	vst.idx.add.f32.msk $0xffff, v1  }
0xf5: {  	v52 =	vshra.s32 v5, $0x10;
	[tilespmem:v11+s13+$0x0] =	vst.idx.add.f32.msk $0xffff, v1  }
0xf6: {  	v54 =	vadd.s32 v2, v17;
	v5 =	vadd.s32 v2, v52;
	[tilespmem:v12+s13+$0x0] =	vst.idx.add.f32.msk $0xffff, v1  }
0xf7: {  	v3 =	vshra.s32 v3, $0x10;
	v11 =	vor.u32 v24, v54;
	[tilespmem:v4+s13+$0x0] =	vst.idx.add.f32.msk $0xffff, v1  }
0xf8: {  	v3 =	vadd.s32 v2, v3;
	[tilespmem:v10+s13+$0x0] =	vst.idx.add.f32.msk $0xffff, v1  }
0xf9: {  	[tilespmem:v57+s13+$0x0] =	vst.idx.add.f32.msk $0xffff, v1  }
0xfa: {  	v55 =	vadd.s32 v2, v16;
	[tilespmem:v6+s13+$0x0] =	vst.idx.add.f32.msk $0xffff, v1  }
0xfb: {  	v60 =	vand.u32 $0x7F, v7;
	[tilespmem:v5+s13+$0x0] =	vst.idx.add.f32.msk $0xffff, v1  }
0xfc: {  	v61 =	vshra.s32 v7, $0x10;
	v5 =	vor.u32 v60, v23;
	[tilespmem:v11+s13+$0x0] =	vst.idx.add.f32.msk $0xffff, v1  }
0xfd: {  	v62 =	vshra.s32 v13, $0x10;
	[tilespmem:v3+s13+$0x0] =	vst.idx.add.f32.msk $0xffff, v1;
	v3 =	vadd.s32 v2, v61  }
0xfe: {  	[tilespmem:v8+s13+$0x0] =	vst.idx.add.f32.msk $0xffff, v1;
	v2 =	vadd.s32 v2, v62  }
0xff: {  	[tilespmem:v55+s13+$0x0] =	vst.idx.add.f32.msk $0xffff, v1  }
0x100: {  	[tilespmem:v21+s13+$0x0] =	vst.idx.add.f32.msk $0xffff, v1  }
0x101: {  	s18 =	sadd.s32 @!p0 s18, s8;
	[tilespmem:v5+s13+$0x0] =	vst.idx.add.f32.msk $0xffff, v1  }
0x102: {  	s19 =	simm.s32 @!p0 $0x0;
	s18 =	sshrl.u32 @!p0 s18, $0x3;
	[tilespmem:v3+s13+$0x0] =	vst.idx.add.f32.msk $0xffff, v1  }
0x103: {  	s20 =	simm.s32 @!p0 $0x1200;
	p1 =	sne.s32 @!p0 s17, $0x26;
	s18 =	sadd.s32 @!p0 s3, s18;
	[tilespmem:v2+s13+$0x0] =	vst.idx.add.f32.msk $0xffff, v1  }
0x104: {  	[tilespmem:s20], [sflag:$0x2] =	stream.linear.gather @!p0 [hbm4b:s18+s19], $0x1200, $0x38;
	[tilespmem:$0x15400] =	vst v63  }
0x105: {  	p0 =	por p0, !p1  }
.Ltmp3:
0x106: {  	_ = 	snop;
	(pc) =	sbr.rel @!p0 .LBB2_4-.Ltmp3, $1  }
0x107: {  	_ =	sdelay $0x3  }
0x108: {  	s16 =	sadd.s32 $0x1, s16  }
0x109: {  	p0 =	sne.s32 s16, s10  }
.Ltmp4:
0x10a: {  	_ = 	snop;
	(pc) =	sbr.rel @p0 .LBB2_1-.Ltmp4, $4  }
0x10b: {  	[hbm4b:s9+s2] =	stream.linear.scatter [tilespmem:s13], [sflag:$0x3], $0x13000, $0x38;
	[tilespmem:$0x15400] =	vst v63  }
0x10c: {  	_ =	swait.ge [sflag:s15], $0x13000  }
0x10d: {  	[sflag:s15] =	ssyncset.done $0x0  }
0x10e: {  	[sflag:s15] =	ssyncadd.s32 $0xFFFED000  }
0x10f: {  	_ =	sfence.sel $0x180000  }
0x110: {  	[bflag:$0x0] =	sbarrier.arrive $0xFFFF  }
0x111: {  	p0 =	sne.s32 s0, $0x0;
	_ =	strace $0x90000047  }
0x112: {  	s0 =	sadd.s32 @!p0 $0x100000, s1;
	[bflag:$0x2] =	sbarrier.arrive $0xFFFF  }
0x113: {  	[sflag:s0] =	ssyncadd.tile.s32 @!p0 $0x1;
	_ =	shalt  }
.Lfunc_end2:
_tile_overlayer_lowered:
.L_overlay_start_2:
0x114: {  	(tag) =	ssettag $0x2  }
0x115: {  	s0 =	rddreg [dreg:$0x0];
	s2 =	stileid.u32  }
0x116: {  	s1 =	rddreg [dreg:$0x1];
	p0 =	sne.s32 s2, $0x0  }
0x117: {  	s3 =	rddreg [dreg:$0x2];
	[bflag:$0x3] =	sbarrier.arrive $0xFFFF;
	s2 =	simm.s32 @!p0 $0x1C03  }
0x118: {  	[timem:s3], [sflag:s2] =	dma.local @!p0 [hbm:s0], s1  }
0x119: {  	s0 =	simm.s32 @!p0 $0x3  }
0x11a: {  	_ =	swait.ge @!p0 [sflag:s0], s1  }
0x11b: {  	s1 =	ssub.s32 @!p0 $0x0, s1;
	[sflag:s0] =	ssyncset.done @!p0 $0x0  }
0x11c: {  	[sflag:s0] =	ssyncadd.s32 @!p0 s1  }
0x11d: {  	[bflag:$0x3] =	sbarrier.arrive $0xFFFF  }
0x11e: {  	_ =	shalt  }

</sc_bundles>
